<compile_context>
chip_gen: v7x
topology: tpu7x:2x2x1
jax: 0.10.2.dev20260603
libtpu: 0.0.44.dev20260713+nightly
codegen_flags: <defaults>
</compile_context>

<pallas_src>
import functools

import jax
import jax.numpy as jnp
from jax import lax
from jax.experimental import pallas as pl
from jax.experimental.pallas import tpu as pltpu
from jax.experimental.pallas import tpu_sc as plsc

B, H, T = 8, 1024, 4096
CD, CS = 8, 1024
TT = 2048
TTB = 2048
BT = B * T

_INFO = plsc.get_sparse_core_info()
_NC, _NS = _INFO.num_cores, _INFO.num_subcores
_NW = _NC * _NS
_BPW = BT // _NW


def _proj_argmax_kernel(h_ref, w_in_ref, b_in_ref, cb_ref,
                        idx_ref, proj_ref):
    h = h_ref[0]
    cb = cb_ref[...]

    p = lax.dot_general(w_in_ref[...], h, (((1,), (0,)), ((), ())),
                        preferred_element_type=jnp.float32)
    p = p + b_in_ref[...][:, None]
    proj_ref[0] = p

    n = jnp.sqrt(jnp.sum(p * p, axis=0, keepdims=True))
    en = p / jnp.maximum(n, 1e-12)
    cbn = jnp.sqrt(jnp.sum(cb * cb, axis=1, keepdims=True))
    cn = cb / jnp.maximum(cbn, 1e-12)

    l2 = jnp.sum(en * en, axis=0, keepdims=True)
    cn2 = jnp.sum(cn * cn, axis=1, keepdims=True)
    sc = lax.dot_general(cn, en, (((1,), (0,)), ((), ())),
                         preferred_element_type=jnp.float32)
    dist = (2.0 * sc - l2) + cn2

    idx_ref[0, 0] = jnp.argmax(dist, axis=0).astype(jnp.int32)


@functools.partial(
    pl.kernel,
    mesh=plsc.VectorSubcoreMesh(core_axis_name="c", subcore_axis_name="s"),
    out_type=[
        jax.ShapeDtypeStruct((CD, BT), jnp.float32),
        jax.ShapeDtypeStruct((B, T), jnp.int32),
    ],
    scratch_types=[
        pltpu.VMEM((_BPW,), jnp.int32),
        pltpu.VMEM((CS * CD,), jnp.float32),
        pltpu.VMEM((CD, _BPW), jnp.float32),
    ],
    compiler_params=pltpu.CompilerParams(needs_layout_passes=False),
)
def _sc_gather(cb_hbm, idx_hbm, q_hbm, idx2_hbm, idx_v, cb_v, q_v):
    wid = lax.axis_index("s") * _NC + lax.axis_index("c")
    base = wid * _BPW
    bb = base // T
    t0 = base - bb * T
    pltpu.sync_copy(idx_hbm.at[bb, 0, pl.ds(t0, _BPW)], idx_v)
    pltpu.sync_copy(cb_hbm, cb_v)

    lanes = lax.iota(jnp.int32, 16)
    hi = lax.shift_right_logical(lanes, 3)
    lo = lax.bitwise_and(lanes, 7)

    def body(j, _):
        tpos = hi + 2 * j
        rows = plsc.load_gather(idx_v, [tpos])
        eidx = lax.shift_left(rows, 3) + lo
        vals = plsc.load_gather(cb_v, [eidx])
        plsc.store_scatter(q_v, [lo, tpos], vals)
        return _

    jax.lax.fori_loop(0, _BPW // 2, body, None, unroll=16)
    pltpu.sync_copy(q_v, q_hbm.at[:, pl.ds(base, _BPW)])
    pltpu.sync_copy(idx_v, idx2_hbm.at[bb, pl.ds(t0, _BPW)])


def _out_loss_kernel(q_ref, proj_ref, w_out_ref, b_out_ref,
                     out_ref, loss_ref):
    qb = q_ref[...]
    o = lax.dot_general(w_out_ref[...], qb, (((1,), (0,)), ((), ())),
                        preferred_element_type=jnp.float32)
    out_ref[0] = o + b_out_ref[...][:, None]

    d = proj_ref[0] - qb
    sse = jnp.sum(d * d)

    @pl.when(jnp.logical_and(pl.program_id(0) == 0, pl.program_id(1) == 0))
    def _init():
        loss_ref[0, 0] = 0.0

    loss_ref[0, 0] += sse / (B * CD * T)


@jax.jit
def _vq(hidden_state, W_in, b_in, codebook, W_out, b_out):
    idx3, proj = pl.pallas_call(
        _proj_argmax_kernel,
        grid=(B, T // TT),
        in_specs=[
            pl.BlockSpec((1, H, TT), lambda b, t: (b, 0, t)),
            pl.BlockSpec((CD, H), lambda b, t: (0, 0)),
            pl.BlockSpec((CD,), lambda b, t: (0,)),
            pl.BlockSpec((CS, CD), lambda b, t: (0, 0)),
        ],
        out_specs=[
            pl.BlockSpec((1, 1, TT), lambda b, t: (b, 0, t)),
            pl.BlockSpec((1, CD, TT), lambda b, t: (b, 0, t)),
        ],
        out_shape=[
            jax.ShapeDtypeStruct((B, 1, T), jnp.int32),
            jax.ShapeDtypeStruct((B, CD, T), jnp.float32),
        ],
    )(hidden_state, W_in, b_in, codebook)

    qT, idx2 = _sc_gather(codebook.reshape(CS * CD), idx3)

    out, loss2 = pl.pallas_call(
        _out_loss_kernel,
        grid=(B, T // TTB),
        in_specs=[
            pl.BlockSpec((CD, TTB), lambda b, t: (0, b * (T // TTB) + t)),
            pl.BlockSpec((1, CD, TTB), lambda b, t: (b, 0, t)),
            pl.BlockSpec((H, CD), lambda b, t: (0, 0)),
            pl.BlockSpec((H,), lambda b, t: (0,)),
        ],
        out_specs=[
            pl.BlockSpec((1, H, TTB), lambda b, t: (b, 0, t)),
            pl.BlockSpec(memory_space=pltpu.SMEM, block_shape=(1, 1),
                         index_map=lambda b, t: (0, 0)),
        ],
        out_shape=[
            jax.ShapeDtypeStruct((B, H, T), jnp.float32),
            jax.ShapeDtypeStruct((1, 1), jnp.float32),
        ],
    )(qT, proj, W_out, b_out)

    loss = loss2[0, 0]
    return out, loss, loss, idx2, proj


def kernel(hidden_state, W_in, b_in, codebook, W_out, b_out):
    return _vq(hidden_state, W_in, b_in, codebook, W_out, b_out)

# --- scband reference (transcript-rebuilt; emitter-appended) ---
"""Pipeline reference for scband-dac-vector-quantize-49228915147001 (READ-ONLY COPY).

The authoritative reference and input builder live on the scoring server;
editing this copy changes nothing except your own understanding.
"""

import jax, jax.numpy as jnp
import numpy as np

B, H, T = 8, 1024, 4096
CD, CS = 8, 1024


def setup_inputs(seed: int = 0):
    key = jax.random.key(seed)
    ks = jax.random.split(key, 6)
    hidden_state = jax.random.normal(ks[0], (B, H, T), dtype=jnp.float32)
    W_in = jax.random.normal(ks[1], (CD, H), dtype=jnp.float32) * (1.0 / np.sqrt(H))
    b_in = jnp.zeros((CD,), dtype=jnp.float32)
    codebook = jax.random.normal(ks[2], (CS, CD), dtype=jnp.float32)
    W_out = jax.random.normal(ks[3], (H, CD), dtype=jnp.float32) * (1.0 / np.sqrt(CD))
    b_out = jnp.zeros((H,), dtype=jnp.float32)
    return {"hidden_state": hidden_state, "W_in": W_in, "b_in": b_in,
            "codebook": codebook, "W_out": W_out, "b_out": b_out}


def _normalize(x, eps=1e-12):
    n = jnp.sqrt(jnp.sum(x * x, axis=1, keepdims=True))
    return x / jnp.maximum(n, eps)


def reference(hidden_state, W_in, b_in, codebook, W_out, b_out):
    # in_proj: Conv1d with kernel_size=1 == per-timestep linear
    projected = jnp.einsum('oh,bht->bot', W_in, hidden_state) + b_in[None, :, None]
    b, d, t = projected.shape
    # decode_latents
    enc = projected.transpose(0, 2, 1).reshape(b * t, d)
    enc_n = _normalize(enc)
    cb_n = _normalize(codebook)
    l2 = jnp.sum(enc_n ** 2, axis=1, keepdims=True)
    dist = -(l2 - 2.0 * (enc_n @ cb_n.T)) + jnp.sum(cb_n ** 2, axis=1, keepdims=True).T
    indices = jnp.argmax(dist, axis=1).reshape(b, t)
    quantized = jnp.take(codebook, indices, axis=0).transpose(0, 2, 1)  # [B, CD, T]
    commitment_loss = jnp.mean((projected - jax.lax.stop_gradient(quantized)) ** 2)
    codebook_loss = jnp.mean((quantized - jax.lax.stop_gradient(projected)) ** 2)
    quantized_st = projected + jax.lax.stop_gradient(quantized - projected)
    out = jnp.einsum('ho,bot->bht', W_out, quantized_st) + b_out[None, :, None]
    return (out, commitment_loss, codebook_loss, indices, projected)

if __name__ == "__main__":
    import jax
    _d = setup_inputs()
    print(jax.jit(kernel)(*tuple(_d.values())))

</pallas_src>

<mosaic_0001>
#map = affine_map<(d0, d1) -> (0)>
#map1 = affine_map<(d0, d1) -> (0, 0, 0)>
#map2 = affine_map<(d0, d1) -> (0, 0)>
module attributes {stable_mosaic.version = 14 : i64} {
  func.func @_sc_gather(%arg0: i32, %arg1: i32, %arg2: memref<8192xf32, #tpu.memory_space<hbm>>, %arg3: memref<8x1x4096xi32, #tpu.memory_space<hbm>>, %arg4: memref<8x32768xf32, #tpu.memory_space<hbm>>, %arg5: memref<8x4096xi32, #tpu.memory_space<hbm>>, %arg6: memref<1024xi32, #tpu.memory_space<vmem>>, %arg7: memref<8192xf32, #tpu.memory_space<vmem>>, %arg8: memref<8x1024xf32, #tpu.memory_space<vmem>>) attributes {dimension_semantics = [#tpu.dimension_semantics<core_parallel>, #tpu.dimension_semantics<subcore_parallel>], iteration_bounds = array<i64: 2, 16>, scalar_prefetch = 0 : i64, scratch_operands = 3 : i64, tpu.core_type = #tpu.core_type<sc_vector_subcore>, window_params = [{transform_indices = #map}, {transform_indices = #map1}, {transform_indices = #map2}, {transform_indices = #map2}]} {
    %mul3A = arith.constant 2 : i32
    %mul3A_0 = arith.muli %arg1, %mul3A : i32
    %add3A = arith.addi %mul3A_0, %arg0 : i32
    %mul3A_1 = arith.constant 1024 : i32
    %mul3A_2 = arith.muli %add3A, %mul3A_1 : i32
    %jit3A = arith.constant 4096 : i32
    %div3A = arith.divsi %mul3A_2, %jit3A : i32
    %sign3A = arith.constant 0 : i32
    %sign3A_3 = arith.cmpi sgt, %mul3A_2, %sign3A : i32
    %sign3A_4 = arith.extui %sign3A_3 : i1 to i32
    %sign3A_5 = arith.constant 0 : i32
    %sign3A_6 = arith.cmpi slt, %mul3A_2, %sign3A_5 : i32
    %sign3A_7 = arith.extui %sign3A_6 : i1 to i32
    %sign3A_8 = arith.subi %sign3A_4, %sign3A_7 : i32
    %sign3A_9 = arith.constant 0 : i32
    %sign3A_10 = arith.cmpi sgt, %jit3A, %sign3A_9 : i32
    %sign3A_11 = arith.extui %sign3A_10 : i1 to i32
    %sign3A_12 = arith.constant 0 : i32
    %sign3A_13 = arith.cmpi slt, %jit3A, %sign3A_12 : i32
    %sign3A_14 = arith.extui %sign3A_13 : i1 to i32
    %sign3A_15 = arith.subi %sign3A_11, %sign3A_14 : i32
    %ne3A = arith.cmpi ne, %sign3A_8, %sign3A_15 : i32
    %rem3A = arith.remsi %mul3A_2, %jit3A : i32
    %ne3A_16 = arith.constant 0 : i32
    %ne3A_17 = arith.cmpi ne, %rem3A, %ne3A_16 : i32
    %and3A = arith.andi %ne3A, %ne3A_17 : i1
    %sub3A = arith.constant 1 : i32
    %sub3A_18 = arith.subi %div3A, %sub3A : i32
    %select_n3A = arith.select %and3A, %sub3A_18, %div3A : i32
    %mul3A_19 = arith.constant 4096 : i32
    %mul3A_20 = arith.muli %select_n3A, %mul3A_19 : i32
    %sub3A_21 = arith.subi %mul3A_2, %mul3A_20 : i32
    %run_scoped3A = arith.constant 0 : i32
    "tpu.region"() ({
      %run_scoped3A_31 = tpu.sem_alloc : memref<!tpu.dma_semaphore, #tpu.memory_space<semaphore_mem>>
      %dma_start3A = tpu.memref_slice %arg3[%select_n3A, %run_scoped3A, %sub3A_21] : memref<8x1x4096xi32, #tpu.memory_space<hbm>> -> memref<1x1x1024xi32, #tpu.memory_space<hbm>>
      %dma_start3A_32 = tpu.memref_squeeze %dma_start3A : memref<1x1x1024xi32, #tpu.memory_space<hbm>> -> memref<1024xi32, #tpu.memory_space<hbm>>
      %dma_start3A_33 = tpu.memref_slice %arg3[%select_n3A, %run_scoped3A, %sub3A_21] : memref<8x1x4096xi32, #tpu.memory_space<hbm>> -> memref<1x1x1024xi32, #tpu.memory_space<hbm>>
      %dma_start3A_34 = tpu.memref_squeeze %dma_start3A_33 : memref<1x1x1024xi32, #tpu.memory_space<hbm>> -> memref<1024xi32, #tpu.memory_space<hbm>>
      tpu.enqueue_dma source(%dma_start3A_34 : memref<1024xi32, #tpu.memory_space<hbm>>) target(%arg6 : memref<1024xi32, #tpu.memory_space<vmem>>) target_semaphore(%run_scoped3A_31 : memref<!tpu.dma_semaphore, #tpu.memory_space<semaphore_mem>>)
      %dma_wait3A = tpu.memref_slice %arg3[%select_n3A, %run_scoped3A, %sub3A_21] : memref<8x1x4096xi32, #tpu.memory_space<hbm>> -> memref<1x1x1024xi32, #tpu.memory_space<hbm>>
      %dma_wait3A_35 = tpu.memref_squeeze %dma_wait3A : memref<1x1x1024xi32, #tpu.memory_space<hbm>> -> memref<1024xi32, #tpu.memory_space<hbm>>
      %dma_wait3A_36 = tpu.memref_slice %arg3[%select_n3A, %run_scoped3A, %sub3A_21] : memref<8x1x4096xi32, #tpu.memory_space<hbm>> -> memref<1x1x1024xi32, #tpu.memory_space<hbm>>
      %dma_wait3A_37 = tpu.memref_squeeze %dma_wait3A_36 : memref<1x1x1024xi32, #tpu.memory_space<hbm>> -> memref<1024xi32, #tpu.memory_space<hbm>>
      tpu.wait_dma2 semaphore(%run_scoped3A_31 : memref<!tpu.dma_semaphore, #tpu.memory_space<semaphore_mem>>) src(%dma_wait3A_37 : memref<1024xi32, #tpu.memory_space<hbm>>) dst(%arg6 : memref<1024xi32, #tpu.memory_space<vmem>>)
      tpu.yield
    }) : () -> ()
    "tpu.region"() ({
      %run_scoped3A_31 = tpu.sem_alloc : memref<!tpu.dma_semaphore, #tpu.memory_space<semaphore_mem>>
      tpu.enqueue_dma source(%arg2 : memref<8192xf32, #tpu.memory_space<hbm>>) target(%arg7 : memref<8192xf32, #tpu.memory_space<vmem>>) target_semaphore(%run_scoped3A_31 : memref<!tpu.dma_semaphore, #tpu.memory_space<semaphore_mem>>)
      tpu.wait_dma2 semaphore(%run_scoped3A_31 : memref<!tpu.dma_semaphore, #tpu.memory_space<semaphore_mem>>) src(%arg2 : memref<8192xf32, #tpu.memory_space<hbm>>) dst(%arg7 : memref<8192xf32, #tpu.memory_space<vmem>>)
      tpu.yield
    }) : () -> ()
    %iota3A = tpu.iota {dimensions = array<i32: 0>} : vector<16xi32>
    %shift_right_logical3A = arith.constant 3 : i32
    %shift_right_logical3A_22 = vector.broadcast %shift_right_logical3A : i32 to vector<16xi32>
    %shift_right_logical3A_23 = arith.shrui %iota3A, %shift_right_logical3A_22 : vector<16xi32>
    %and3A_24 = arith.constant 7 : i32
    %and3A_25 = vector.broadcast %and3A_24 : i32 to vector<16xi32>
    %and3A_26 = arith.andi %iota3A, %and3A_25 : vector<16xi32>
    %scan3A = arith.constant 0 : i32
    %scan3A_27 = arith.constant 512 : i32
    %scan3A_28 = arith.addi %scan3A, %scan3A_27 : i32
    %scan3A_29 = arith.constant 16 : i32
    scf.for %scan3A_31 = %scan3A to %scan3A_28 step %scan3A_29  : i32 {
      %mul3A_32 = arith.constant 2 : i32
      %mul3A_33 = arith.muli %mul3A_32, %scan3A_31 : i32
      %add3A_34 = vector.broadcast %mul3A_33 : i32 to vector<16xi32>
      %add3A_35 = arith.addi %shift_right_logical3A_23, %add3A_34 : vector<16xi32>
      %gather3A = tpu.vector_load_idx %arg6[%add3A_35] : memref<1024xi32, #tpu.memory_space<vmem>>[vector<16xi32>], vector<16xi32>,
      %shift_left3A = arith.constant 3 : i32
      %shift_left3A_36 = vector.broadcast %shift_left3A : i32 to vector<16xi32>
      %shift_left3A_37 = arith.shli %gather3A, %shift_left3A_36 : vector<16xi32>
      %add3A_38 = arith.addi %shift_left3A_37, %and3A_26 : vector<16xi32>
      %gather3A_39 = tpu.vector_load_idx %arg7[%add3A_38] : memref<8192xf32, #tpu.memory_space<vmem>>[vector<16xi32>], vector<16xf32>,
      tpu.vector_store_idx %arg8[%and3A_26, %add3A_35], %gather3A_39 : memref<8x1024xf32, #tpu.memory_space<vmem>>[vector<16xi32>, vector<16xi32>], vector<16xf32>,
      %scan3A_40 = arith.constant 1 : i32
      %scan3A_41 = arith.addi %scan3A_31, %scan3A_40 : i32
      %mul3A_42 = arith.constant 2 : i32
      %mul3A_43 = arith.muli %mul3A_42, %scan3A_41 : i32
      %add3A_44 = vector.broadcast %mul3A_43 : i32 to vector<16xi32>
      %add3A_45 = arith.addi %shift_right_logical3A_23, %add3A_44 : vector<16xi32>
      %gather3A_46 = tpu.vector_load_idx %arg6[%add3A_45] : memref<1024xi32, #tpu.memory_space<vmem>>[vector<16xi32>], vector<16xi32>,
      %shift_left3A_47 = arith.constant 3 : i32
      %shift_left3A_48 = vector.broadcast %shift_left3A_47 : i32 to vector<16xi32>
      %shift_left3A_49 = arith.shli %gather3A_46, %shift_left3A_48 : vector<16xi32>
      %add3A_50 = arith.addi %shift_left3A_49, %and3A_26 : vector<16xi32>
      %gather3A_51 = tpu.vector_load_idx %arg7[%add3A_50] : memref<8192xf32, #tpu.memory_space<vmem>>[vector<16xi32>], vector<16xf32>,
      tpu.vector_store_idx %arg8[%and3A_26, %add3A_45], %gather3A_51 : memref<8x1024xf32, #tpu.memory_space<vmem>>[vector<16xi32>, vector<16xi32>], vector<16xf32>,
      %scan3A_52 = arith.constant 2 : i32
      %scan3A_53 = arith.addi %scan3A_31, %scan3A_52 : i32
      %mul3A_54 = arith.constant 2 : i32
      %mul3A_55 = arith.muli %mul3A_54, %scan3A_53 : i32
      %add3A_56 = vector.broadcast %mul3A_55 : i32 to vector<16xi32>
      %add3A_57 = arith.addi %shift_right_logical3A_23, %add3A_56 : vector<16xi32>
      %gather3A_58 = tpu.vector_load_idx %arg6[%add3A_57] : memref<1024xi32, #tpu.memory_space<vmem>>[vector<16xi32>], vector<16xi32>,
      %shift_left3A_59 = arith.constant 3 : i32
      %shift_left3A_60 = vector.broadcast %shift_left3A_59 : i32 to vector<16xi32>
      %shift_left3A_61 = arith.shli %gather3A_58, %shift_left3A_60 : vector<16xi32>
      %add3A_62 = arith.addi %shift_left3A_61, %and3A_26 : vector<16xi32>
      %gather3A_63 = tpu.vector_load_idx %arg7[%add3A_62] : memref<8192xf32, #tpu.memory_space<vmem>>[vector<16xi32>], vector<16xf32>,
      tpu.vector_store_idx %arg8[%and3A_26, %add3A_57], %gather3A_63 : memref<8x1024xf32, #tpu.memory_space<vmem>>[vector<16xi32>, vector<16xi32>], vector<16xf32>,
      %scan3A_64 = arith.constant 3 : i32
      %scan3A_65 = arith.addi %scan3A_31, %scan3A_64 : i32
      %mul3A_66 = arith.constant 2 : i32
      %mul3A_67 = arith.muli %mul3A_66, %scan3A_65 : i32
      %add3A_68 = vector.broadcast %mul3A_67 : i32 to vector<16xi32>
      %add3A_69 = arith.addi %shift_right_logical3A_23, %add3A_68 : vector<16xi32>
      %gather3A_70 = tpu.vector_load_idx %arg6[%add3A_69] : memref<1024xi32, #tpu.memory_space<vmem>>[vector<16xi32>], vector<16xi32>,
      %shift_left3A_71 = arith.constant 3 : i32
      %shift_left3A_72 = vector.broadcast %shift_left3A_71 : i32 to vector<16xi32>
      %shift_left3A_73 = arith.shli %gather3A_70, %shift_left3A_72 : vector<16xi32>
      %add3A_74 = arith.addi %shift_left3A_73, %and3A_26 : vector<16xi32>
      %gather3A_75 = tpu.vector_load_idx %arg7[%add3A_74] : memref<8192xf32, #tpu.memory_space<vmem>>[vector<16xi32>], vector<16xf32>,
      tpu.vector_store_idx %arg8[%and3A_26, %add3A_69], %gather3A_75 : memref<8x1024xf32, #tpu.memory_space<vmem>>[vector<16xi32>, vector<16xi32>], vector<16xf32>,
      %scan3A_76 = arith.constant 4 : i32
      %scan3A_77 = arith.addi %scan3A_31, %scan3A_76 : i32
      %mul3A_78 = arith.constant 2 : i32
      %mul3A_79 = arith.muli %mul3A_78, %scan3A_77 : i32
      %add3A_80 = vector.broadcast %mul3A_79 : i32 to vector<16xi32>
      %add3A_81 = arith.addi %shift_right_logical3A_23, %add3A_80 : vector<16xi32>
      %gather3A_82 = tpu.vector_load_idx %arg6[%add3A_81] : memref<1024xi32, #tpu.memory_space<vmem>>[vector<16xi32>], vector<16xi32>,
      %shift_left3A_83 = arith.constant 3 : i32
      %shift_left3A_84 = vector.broadcast %shift_left3A_83 : i32 to vector<16xi32>
      %shift_left3A_85 = arith.shli %gather3A_82, %shift_left3A_84 : vector<16xi32>
      %add3A_86 = arith.addi %shift_left3A_85, %and3A_26 : vector<16xi32>
      %gather3A_87 = tpu.vector_load_idx %arg7[%add3A_86] : memref<8192xf32, #tpu.memory_space<vmem>>[vector<16xi32>], vector<16xf32>,
      tpu.vector_store_idx %arg8[%and3A_26, %add3A_81], %gather3A_87 : memref<8x1024xf32, #tpu.memory_space<vmem>>[vector<16xi32>, vector<16xi32>], vector<16xf32>,
      %scan3A_88 = arith.constant 5 : i32
      %scan3A_89 = arith.addi %scan3A_31, %scan3A_88 : i32
      %mul3A_90 = arith.constant 2 : i32
      %mul3A_91 = arith.muli %mul3A_90, %scan3A_89 : i32
      %add3A_92 = vector.broadcast %mul3A_91 : i32 to vector<16xi32>
      %add3A_93 = arith.addi %shift_right_logical3A_23, %add3A_92 : vector<16xi32>
      %gather3A_94 = tpu.vector_load_idx %arg6[%add3A_93] : memref<1024xi32, #tpu.memory_space<vmem>>[vector<16xi32>], vector<16xi32>,
      %shift_left3A_95 = arith.constant 3 : i32
      %shift_left3A_96 = vector.broadcast %shift_left3A_95 : i32 to vector<16xi32>
      %shift_left3A_97 = arith.shli %gather3A_94, %shift_left3A_96 : vector<16xi32>
      %add3A_98 = arith.addi %shift_left3A_97, %and3A_26 : vector<16xi32>
      %gather3A_99 = tpu.vector_load_idx %arg7[%add3A_98] : memref<8192xf32, #tpu.memory_space<vmem>>[vector<16xi32>], vector<16xf32>,
      tpu.vector_store_idx %arg8[%and3A_26, %add3A_93], %gather3A_99 : memref<8x1024xf32, #tpu.memory_space<vmem>>[vector<16xi32>, vector<16xi32>], vector<16xf32>,
      %scan3A_100 = arith.constant 6 : i32
      %scan3A_101 = arith.addi %scan3A_31, %scan3A_100 : i32
      %mul3A_102 = arith.constant 2 : i32
      %mul3A_103 = arith.muli %mul3A_102, %scan3A_101 : i32
      %add3A_104 = vector.broadcast %mul3A_103 : i32 to vector<16xi32>
      %add3A_105 = arith.addi %shift_right_logical3A_23, %add3A_104 : vector<16xi32>
      %gather3A_106 = tpu.vector_load_idx %arg6[%add3A_105] : memref<1024xi32, #tpu.memory_space<vmem>>[vector<16xi32>], vector<16xi32>,
      %shift_left3A_107 = arith.constant 3 : i32
      %shift_left3A_108 = vector.broadcast %shift_left3A_107 : i32 to vector<16xi32>
      %shift_left3A_109 = arith.shli %gather3A_106, %shift_left3A_108 : vector<16xi32>
      %add3A_110 = arith.addi %shift_left3A_109, %and3A_26 : vector<16xi32>
      %gather3A_111 = tpu.vector_load_idx %arg7[%add3A_110] : memref<8192xf32, #tpu.memory_space<vmem>>[vector<16xi32>], vector<16xf32>,
      tpu.vector_store_idx %arg8[%and3A_26, %add3A_105], %gather3A_111 : memref<8x1024xf32, #tpu.memory_space<vmem>>[vector<16xi32>, vector<16xi32>], vector<16xf32>,
      %scan3A_112 = arith.constant 7 : i32
      %scan3A_113 = arith.addi %scan3A_31, %scan3A_112 : i32
      %mul3A_114 = arith.constant 2 : i32
      %mul3A_115 = arith.muli %mul3A_114, %scan3A_113 : i32
      %add3A_116 = vector.broadcast %mul3A_115 : i32 to vector<16xi32>
      %add3A_117 = arith.addi %shift_right_logical3A_23, %add3A_116 : vector<16xi32>
      %gather3A_118 = tpu.vector_load_idx %arg6[%add3A_117] : memref<1024xi32, #tpu.memory_space<vmem>>[vector<16xi32>], vector<16xi32>,
      %shift_left3A_119 = arith.constant 3 : i32
      %shift_left3A_120 = vector.broadcast %shift_left3A_119 : i32 to vector<16xi32>
      %shift_left3A_121 = arith.shli %gather3A_118, %shift_left3A_120 : vector<16xi32>
      %add3A_122 = arith.addi %shift_left3A_121, %and3A_26 : vector<16xi32>
      %gather3A_123 = tpu.vector_load_idx %arg7[%add3A_122] : memref<8192xf32, #tpu.memory_space<vmem>>[vector<16xi32>], vector<16xf32>,
      tpu.vector_store_idx %arg8[%and3A_26, %add3A_117], %gather3A_123 : memref<8x1024xf32, #tpu.memory_space<vmem>>[vector<16xi32>, vector<16xi32>], vector<16xf32>,
      %scan3A_124 = arith.constant 8 : i32
      %scan3A_125 = arith.addi %scan3A_31, %scan3A_124 : i32
      %mul3A_126 = arith.constant 2 : i32
      %mul3A_127 = arith.muli %mul3A_126, %scan3A_125 : i32
      %add3A_128 = vector.broadcast %mul3A_127 : i32 to vector<16xi32>
      %add3A_129 = arith.addi %shift_right_logical3A_23, %add3A_128 : vector<16xi32>
      %gather3A_130 = tpu.vector_load_idx %arg6[%add3A_129] : memref<1024xi32, #tpu.memory_space<vmem>>[vector<16xi32>], vector<16xi32>,
      %shift_left3A_131 = arith.constant 3 : i32
      %shift_left3A_132 = vector.broadcast %shift_left3A_131 : i32 to vector<16xi32>
      %shift_left3A_133 = arith.shli %gather3A_130, %shift_left3A_132 : vector<16xi32>
      %add3A_134 = arith.addi %shift_left3A_133, %and3A_26 : vector<16xi32>
      %gather3A_135 = tpu.vector_load_idx %arg7[%add3A_134] : memref<8192xf32, #tpu.memory_space<vmem>>[vector<16xi32>], vector<16xf32>,
      tpu.vector_store_idx %arg8[%and3A_26, %add3A_129], %gather3A_135 : memref<8x1024xf32, #tpu.memory_space<vmem>>[vector<16xi32>, vector<16xi32>], vector<16xf32>,
      %scan3A_136 = arith.constant 9 : i32
      %scan3A_137 = arith.addi %scan3A_31, %scan3A_136 : i32
      %mul3A_138 = arith.constant 2 : i32
      %mul3A_139 = arith.muli %mul3A_138, %scan3A_137 : i32
      %add3A_140 = vector.broadcast %mul3A_139 : i32 to vector<16xi32>
      %add3A_141 = arith.addi %shift_right_logical3A_23, %add3A_140 : vector<16xi32>
      %gather3A_142 = tpu.vector_load_idx %arg6[%add3A_141] : memref<1024xi32, #tpu.memory_space<vmem>>[vector<16xi32>], vector<16xi32>,
      %shift_left3A_143 = arith.constant 3 : i32
      %shift_left3A_144 = vector.broadcast %shift_left3A_143 : i32 to vector<16xi32>
      %shift_left3A_145 = arith.shli %gather3A_142, %shift_left3A_144 : vector<16xi32>
      %add3A_146 = arith.addi %shift_left3A_145, %and3A_26 : vector<16xi32>
      %gather3A_147 = tpu.vector_load_idx %arg7[%add3A_146] : memref<8192xf32, #tpu.memory_space<vmem>>[vector<16xi32>], vector<16xf32>,
      tpu.vector_store_idx %arg8[%and3A_26, %add3A_141], %gather3A_147 : memref<8x1024xf32, #tpu.memory_space<vmem>>[vector<16xi32>, vector<16xi32>], vector<16xf32>,
      %scan3A_148 = arith.constant 10 : i32
      %scan3A_149 = arith.addi %scan3A_31, %scan3A_148 : i32
      %mul3A_150 = arith.constant 2 : i32
      %mul3A_151 = arith.muli %mul3A_150, %scan3A_149 : i32
      %add3A_152 = vector.broadcast %mul3A_151 : i32 to vector<16xi32>
      %add3A_153 = arith.addi %shift_right_logical3A_23, %add3A_152 : vector<16xi32>
      %gather3A_154 = tpu.vector_load_idx %arg6[%add3A_153] : memref<1024xi32, #tpu.memory_space<vmem>>[vector<16xi32>], vector<16xi32>,
      %shift_left3A_155 = arith.constant 3 : i32
      %shift_left3A_156 = vector.broadcast %shift_left3A_155 : i32 to vector<16xi32>
      %shift_left3A_157 = arith.shli %gather3A_154, %shift_left3A_156 : vector<16xi32>
      %add3A_158 = arith.addi %shift_left3A_157, %and3A_26 : vector<16xi32>
      %gather3A_159 = tpu.vector_load_idx %arg7[%add3A_158] : memref<8192xf32, #tpu.memory_space<vmem>>[vector<16xi32>], vector<16xf32>,
      tpu.vector_store_idx %arg8[%and3A_26, %add3A_153], %gather3A_159 : memref<8x1024xf32, #tpu.memory_space<vmem>>[vector<16xi32>, vector<16xi32>], vector<16xf32>,
      %scan3A_160 = arith.constant 11 : i32
      %scan3A_161 = arith.addi %scan3A_31, %scan3A_160 : i32
      %mul3A_162 = arith.constant 2 : i32
      %mul3A_163 = arith.muli %mul3A_162, %scan3A_161 : i32
      %add3A_164 = vector.broadcast %mul3A_163 : i32 to vector<16xi32>
      %add3A_165 = arith.addi %shift_right_logical3A_23, %add3A_164 : vector<16xi32>
      %gather3A_166 = tpu.vector_load_idx %arg6[%add3A_165] : memref<1024xi32, #tpu.memory_space<vmem>>[vector<16xi32>], vector<16xi32>,
      %shift_left3A_167 = arith.constant 3 : i32
      %shift_left3A_168 = vector.broadcast %shift_left3A_167 : i32 to vector<16xi32>
      %shift_left3A_169 = arith.shli %gather3A_166, %shift_left3A_168 : vector<16xi32>
      %add3A_170 = arith.addi %shift_left3A_169, %and3A_26 : vector<16xi32>
      %gather3A_171 = tpu.vector_load_idx %arg7[%add3A_170] : memref<8192xf32, #tpu.memory_space<vmem>>[vector<16xi32>], vector<16xf32>,
      tpu.vector_store_idx %arg8[%and3A_26, %add3A_165], %gather3A_171 : memref<8x1024xf32, #tpu.memory_space<vmem>>[vector<16xi32>, vector<16xi32>], vector<16xf32>,
      %scan3A_172 = arith.constant 12 : i32
      %scan3A_173 = arith.addi %scan3A_31, %scan3A_172 : i32
      %mul3A_174 = arith.constant 2 : i32
      %mul3A_175 = arith.muli %mul3A_174, %scan3A_173 : i32
      %add3A_176 = vector.broadcast %mul3A_175 : i32 to vector<16xi32>
      %add3A_177 = arith.addi %shift_right_logical3A_23, %add3A_176 : vector<16xi32>
      %gather3A_178 = tpu.vector_load_idx %arg6[%add3A_177] : memref<1024xi32, #tpu.memory_space<vmem>>[vector<16xi32>], vector<16xi32>,
      %shift_left3A_179 = arith.constant 3 : i32
      %shift_left3A_180 = vector.broadcast %shift_left3A_179 : i32 to vector<16xi32>
      %shift_left3A_181 = arith.shli %gather3A_178, %shift_left3A_180 : vector<16xi32>
      %add3A_182 = arith.addi %shift_left3A_181, %and3A_26 : vector<16xi32>
      %gather3A_183 = tpu.vector_load_idx %arg7[%add3A_182] : memref<8192xf32, #tpu.memory_space<vmem>>[vector<16xi32>], vector<16xf32>,
      tpu.vector_store_idx %arg8[%and3A_26, %add3A_177], %gather3A_183 : memref<8x1024xf32, #tpu.memory_space<vmem>>[vector<16xi32>, vector<16xi32>], vector<16xf32>,
      %scan3A_184 = arith.constant 13 : i32
      %scan3A_185 = arith.addi %scan3A_31, %scan3A_184 : i32
      %mul3A_186 = arith.constant 2 : i32
      %mul3A_187 = arith.muli %mul3A_186, %scan3A_185 : i32
      %add3A_188 = vector.broadcast %mul3A_187 : i32 to vector<16xi32>
      %add3A_189 = arith.addi %shift_right_logical3A_23, %add3A_188 : vector<16xi32>
      %gather3A_190 = tpu.vector_load_idx %arg6[%add3A_189] : memref<1024xi32, #tpu.memory_space<vmem>>[vector<16xi32>], vector<16xi32>,
      %shift_left3A_191 = arith.constant 3 : i32
      %shift_left3A_192 = vector.broadcast %shift_left3A_191 : i32 to vector<16xi32>
      %shift_left3A_193 = arith.shli %gather3A_190, %shift_left3A_192 : vector<16xi32>
      %add3A_194 = arith.addi %shift_left3A_193, %and3A_26 : vector<16xi32>
      %gather3A_195 = tpu.vector_load_idx %arg7[%add3A_194] : memref<8192xf32, #tpu.memory_space<vmem>>[vector<16xi32>], vector<16xf32>,
      tpu.vector_store_idx %arg8[%and3A_26, %add3A_189], %gather3A_195 : memref<8x1024xf32, #tpu.memory_space<vmem>>[vector<16xi32>, vector<16xi32>], vector<16xf32>,
      %scan3A_196 = arith.constant 14 : i32
      %scan3A_197 = arith.addi %scan3A_31, %scan3A_196 : i32
      %mul3A_198 = arith.constant 2 : i32
      %mul3A_199 = arith.muli %mul3A_198, %scan3A_197 : i32
      %add3A_200 = vector.broadcast %mul3A_199 : i32 to vector<16xi32>
      %add3A_201 = arith.addi %shift_right_logical3A_23, %add3A_200 : vector<16xi32>
      %gather3A_202 = tpu.vector_load_idx %arg6[%add3A_201] : memref<1024xi32, #tpu.memory_space<vmem>>[vector<16xi32>], vector<16xi32>,
      %shift_left3A_203 = arith.constant 3 : i32
      %shift_left3A_204 = vector.broadcast %shift_left3A_203 : i32 to vector<16xi32>
      %shift_left3A_205 = arith.shli %gather3A_202, %shift_left3A_204 : vector<16xi32>
      %add3A_206 = arith.addi %shift_left3A_205, %and3A_26 : vector<16xi32>
      %gather3A_207 = tpu.vector_load_idx %arg7[%add3A_206] : memref<8192xf32, #tpu.memory_space<vmem>>[vector<16xi32>], vector<16xf32>,
      tpu.vector_store_idx %arg8[%and3A_26, %add3A_201], %gather3A_207 : memref<8x1024xf32, #tpu.memory_space<vmem>>[vector<16xi32>, vector<16xi32>], vector<16xf32>,
      %scan3A_208 = arith.constant 15 : i32
      %scan3A_209 = arith.addi %scan3A_31, %scan3A_208 : i32
      %mul3A_210 = arith.constant 2 : i32
      %mul3A_211 = arith.muli %mul3A_210, %scan3A_209 : i32
      %add3A_212 = vector.broadcast %mul3A_211 : i32 to vector<16xi32>
      %add3A_213 = arith.addi %shift_right_logical3A_23, %add3A_212 : vector<16xi32>
      %gather3A_214 = tpu.vector_load_idx %arg6[%add3A_213] : memref<1024xi32, #tpu.memory_space<vmem>>[vector<16xi32>], vector<16xi32>,
      %shift_left3A_215 = arith.constant 3 : i32
      %shift_left3A_216 = vector.broadcast %shift_left3A_215 : i32 to vector<16xi32>
      %shift_left3A_217 = arith.shli %gather3A_214, %shift_left3A_216 : vector<16xi32>
      %add3A_218 = arith.addi %shift_left3A_217, %and3A_26 : vector<16xi32>
      %gather3A_219 = tpu.vector_load_idx %arg7[%add3A_218] : memref<8192xf32, #tpu.memory_space<vmem>>[vector<16xi32>], vector<16xf32>,
      tpu.vector_store_idx %arg8[%and3A_26, %add3A_213], %gather3A_219 : memref<8x1024xf32, #tpu.memory_space<vmem>>[vector<16xi32>, vector<16xi32>], vector<16xf32>,
    }
    %scan3A_30 = arith.constant 512 : i32
    "tpu.region"() ({
      %run_scoped3A_31 = tpu.sem_alloc : memref<!tpu.dma_semaphore, #tpu.memory_space<semaphore_mem>>
      %dma_start3A = arith.constant 0 : i32
      %dma_start3A_32 = tpu.memref_slice %arg4[%dma_start3A, %mul3A_2] : memref<8x32768xf32, #tpu.memory_space<hbm>> -> memref<8x1024xf32, #tpu.memory_space<hbm>>
      %dma_start3A_33 = arith.constant 0 : i32
      %dma_start3A_34 = tpu.memref_slice %arg4[%dma_start3A_33, %mul3A_2] : memref<8x32768xf32, #tpu.memory_space<hbm>> -> memref<8x1024xf32, #tpu.memory_space<hbm>>
      tpu.enqueue_dma source(%arg8 : memref<8x1024xf32, #tpu.memory_space<vmem>>) target(%dma_start3A_34 : memref<8x1024xf32, #tpu.memory_space<hbm>>) target_semaphore(%run_scoped3A_31 : memref<!tpu.dma_semaphore, #tpu.memory_space<semaphore_mem>>)
      %dma_wait3A = arith.constant 0 : i32
      %dma_wait3A_35 = tpu.memref_slice %arg4[%dma_wait3A, %mul3A_2] : memref<8x32768xf32, #tpu.memory_space<hbm>> -> memref<8x1024xf32, #tpu.memory_space<hbm>>
      %dma_wait3A_36 = arith.constant 0 : i32
      %dma_wait3A_37 = tpu.memref_slice %arg4[%dma_wait3A_36, %mul3A_2] : memref<8x32768xf32, #tpu.memory_space<hbm>> -> memref<8x1024xf32, #tpu.memory_space<hbm>>
      tpu.wait_dma2 semaphore(%run_scoped3A_31 : memref<!tpu.dma_semaphore, #tpu.memory_space<semaphore_mem>>) src(%arg8 : memref<8x1024xf32, #tpu.memory_space<vmem>>) dst(%dma_wait3A_37 : memref<8x1024xf32, #tpu.memory_space<hbm>>)
      tpu.yield
    }) : () -> ()
    "tpu.region"() ({
      %run_scoped3A_31 = tpu.sem_alloc : memref<!tpu.dma_semaphore, #tpu.memory_space<semaphore_mem>>
      %dma_start3A = tpu.memref_slice %arg5[%select_n3A, %sub3A_21] : memref<8x4096xi32, #tpu.memory_space<hbm>> -> memref<1x1024xi32, #tpu.memory_space<hbm>>
      %dma_start3A_32 = tpu.memref_squeeze %dma_start3A : memref<1x1024xi32, #tpu.memory_space<hbm>> -> memref<1024xi32, #tpu.memory_space<hbm>>
      %dma_start3A_33 = tpu.memref_slice %arg5[%select_n3A, %sub3A_21] : memref<8x4096xi32, #tpu.memory_space<hbm>> -> memref<1x1024xi32, #tpu.memory_space<hbm>>
      %dma_start3A_34 = tpu.memref_squeeze %dma_start3A_33 : memref<1x1024xi32, #tpu.memory_space<hbm>> -> memref<1024xi32, #tpu.memory_space<hbm>>
      tpu.enqueue_dma source(%arg6 : memref<1024xi32, #tpu.memory_space<vmem>>) target(%dma_start3A_34 : memref<1024xi32, #tpu.memory_space<hbm>>) target_semaphore(%run_scoped3A_31 : memref<!tpu.dma_semaphore, #tpu.memory_space<semaphore_mem>>)
      %dma_wait3A = tpu.memref_slice %arg5[%select_n3A, %sub3A_21] : memref<8x4096xi32, #tpu.memory_space<hbm>> -> memref<1x1024xi32, #tpu.memory_space<hbm>>
      %dma_wait3A_35 = tpu.memref_squeeze %dma_wait3A : memref<1x1024xi32, #tpu.memory_space<hbm>> -> memref<1024xi32, #tpu.memory_space<hbm>>
      %dma_wait3A_36 = tpu.memref_slice %arg5[%select_n3A, %sub3A_21] : memref<8x4096xi32, #tpu.memory_space<hbm>> -> memref<1x1024xi32, #tpu.memory_space<hbm>>
      %dma_wait3A_37 = tpu.memref_squeeze %dma_wait3A_36 : memref<1x1024xi32, #tpu.memory_space<hbm>> -> memref<1024xi32, #tpu.memory_space<hbm>>
      tpu.wait_dma2 semaphore(%run_scoped3A_31 : memref<!tpu.dma_semaphore, #tpu.memory_space<semaphore_mem>>) src(%arg6 : memref<1024xi32, #tpu.memory_space<vmem>>) dst(%dma_wait3A_37 : memref<1024xi32, #tpu.memory_space<hbm>>)
      tpu.yield
    }) : () -> ()
    return
  }
}

module attributes {stable_mosaic.version = 14 : i64} {
  func.func @_proj_argmax_kernel(%arg0: i32, %arg1: i32, %arg2: memref<1x1024x2048xf32, #tpu.memory_space<vmem>>, %arg3: memref<8x1024xf32, #tpu.memory_space<vmem>>, %arg4: memref<8xf32, #tpu.memory_space<vmem>>, %arg5: memref<1024x8xf32, #tpu.memory_space<vmem>>, %arg6: memref<1x1x2048xi32, #tpu.memory_space<vmem>>, %arg7: memref<1x8x2048xf32, #tpu.memory_space<vmem>>) attributes {dimension_semantics = [#tpu.dimension_semantics<arbitrary>, #tpu.dimension_semantics<arbitrary>], iteration_bounds = array<i64: 8, 2>, scalar_prefetch = 0 : i64, scratch_operands = 0 : i64, tpu.core_type = #tpu.core_type<tc>, window_params = [{transform_indices = @transform_0, window_bounds = array<i64: 1, 1024, 2048>}, {pipeline_mode = #tpu.pipeline_mode<synchronous>, transform_indices = @transform_1, window_bounds = array<i64: 8, 1024>}, {pipeline_mode = #tpu.pipeline_mode<synchronous>, transform_indices = @transform_2, window_bounds = array<i64: 8>}, {pipeline_mode = #tpu.pipeline_mode<synchronous>, transform_indices = @transform_3, window_bounds = array<i64: 1024, 8>}, {transform_indices = @transform_4, window_bounds = array<i64: 1, 1, 2048>}, {transform_indices = @transform_5, window_bounds = array<i64: 1, 8, 2048>}]} {
    %get3A = arith.constant 0 : index
    %get3A_0 = arith.constant 0 : index
    %get3A_1 = arith.constant 0 : index
    %get3A_2 = vector.load %arg2[%get3A, %get3A_0, %get3A_1] : memref<1x1024x2048xf32, #tpu.memory_space<vmem>>, vector<1x1024x2048xf32>
    %get3A_3 = vector.shape_cast %get3A_2 : vector<1x1024x2048xf32> to vector<1024x2048xf32>
    %get3A_4 = arith.constant 0 : index
    %get3A_5 = arith.constant 0 : index
    %get3A_6 = vector.load %arg5[%get3A_4, %get3A_5] : memref<1024x8xf32, #tpu.memory_space<vmem>>, vector<1024x8xf32>
    %get3A_7 = arith.constant 0 : index
    %get3A_8 = arith.constant 0 : index
    %get3A_9 = vector.load %arg3[%get3A_7, %get3A_8] : memref<8x1024xf32, #tpu.memory_space<vmem>>, vector<8x1024xf32>
    %dot_general3A = arith.constant dense<0.000000e+00> : vector<8x2048xf32>
    %dot_general3A_10 = tpu.matmul %get3A_9, %get3A_3, %dot_general3A {dimension_numbers = #tpu.dot_dimension_numbers<[1], [0], [0], [1], [0, 0, 1, 1], [], []>, transpose_lhs_hint = false} : vector<8x1024xf32>, vector<1024x2048xf32>, vector<8x2048xf32> -> vector<8x2048xf32>
    %get3A_11 = arith.constant 0 : index
    %get3A_12 = vector.load %arg4[%get3A_11] : memref<8xf32, #tpu.memory_space<vmem>>, vector<8xf32>
    %broadcast_in_dim3A = vector.shape_cast %get3A_12 : vector<8xf32> to vector<8x1xf32>
    %add3A = vector.broadcast %broadcast_in_dim3A : vector<8x1xf32> to vector<8x2048xf32>
    %add3A_13 = arith.addf %dot_general3A_10, %add3A : vector<8x2048xf32>
    %swap3A = arith.constant 0 : index
    %swap3A_14 = arith.constant 0 : index
    %swap3A_15 = arith.constant 0 : index
    %swap3A_16 = vector.load %arg7[%swap3A, %swap3A_14, %swap3A_15] : memref<1x8x2048xf32, #tpu.memory_space<vmem>>, vector<1x8x2048xf32>
    %swap3A_17 = vector.shape_cast %swap3A_16 : vector<1x8x2048xf32> to vector<8x2048xf32>
    %swap3A_18 = vector.shape_cast %add3A_13 : vector<8x2048xf32> to vector<1x8x2048xf32>
    tpu.vector_store %arg7[%swap3A, %swap3A_14, %swap3A_15], %swap3A_18 {strides = array<i32>} : memref<1x8x2048xf32, #tpu.memory_space<vmem>>, vector<1x8x2048xf32>,
    %mul3A = arith.mulf %add3A_13, %add3A_13 : vector<8x2048xf32>
    %reduce_sum3A = arith.constant dense<0.000000e+00> : vector<2048xf32>
    %reduce_sum3A_19 = vector.multi_reduction <add>, %mul3A, %reduce_sum3A [0] : vector<8x2048xf32> to vector<2048xf32>
    %broadcast_in_dim3A_20 = vector.shape_cast %reduce_sum3A_19 : vector<2048xf32> to vector<1x2048xf32>
    %sqrt3A = math.sqrt %broadcast_in_dim3A_20 : vector<1x2048xf32>
    %max3A = arith.constant 9.99999996E-13 : f32
    %max3A_21 = vector.broadcast %max3A : f32 to vector<1x2048xf32>
    %max3A_22 = arith.maximumf %sqrt3A, %max3A_21 : vector<1x2048xf32>
    %div3A = vector.broadcast %max3A_22 : vector<1x2048xf32> to vector<8x2048xf32>
    %div3A_23 = arith.divf %add3A_13, %div3A : vector<8x2048xf32>
    %mul3A_24 = arith.mulf %get3A_6, %get3A_6 : vector<1024x8xf32>
    %reduce_sum3A_25 = arith.constant dense<0.000000e+00> : vector<1024xf32>
    %reduce_sum3A_26 = vector.multi_reduction <add>, %mul3A_24, %reduce_sum3A_25 [1] : vector<1024x8xf32> to vector<1024xf32>
    %broadcast_in_dim3A_27 = vector.shape_cast %reduce_sum3A_26 : vector<1024xf32> to vector<1024x1xf32>
    %sqrt3A_28 = math.sqrt %broadcast_in_dim3A_27 : vector<1024x1xf32>
    %max3A_29 = arith.constant 9.99999996E-13 : f32
    %max3A_30 = vector.broadcast %max3A_29 : f32 to vector<1024x1xf32>
    %max3A_31 = arith.maximumf %sqrt3A_28, %max3A_30 : vector<1024x1xf32>
    %div3A_32 = vector.broadcast %max3A_31 : vector<1024x1xf32> to vector<1024x8xf32>
    %div3A_33 = arith.divf %get3A_6, %div3A_32 : vector<1024x8xf32>
    %mul3A_34 = arith.mulf %div3A_23, %div3A_23 : vector<8x2048xf32>
    %reduce_sum3A_35 = arith.constant dense<0.000000e+00> : vector<2048xf32>
    %reduce_sum3A_36 = vector.multi_reduction <add>, %mul3A_34, %reduce_sum3A_35 [0] : vector<8x2048xf32> to vector<2048xf32>
    %broadcast_in_dim3A_37 = vector.shape_cast %reduce_sum3A_36 : vector<2048xf32> to vector<1x2048xf32>
    %mul3A_38 = arith.mulf %div3A_33, %div3A_33 : vector<1024x8xf32>
    %reduce_sum3A_39 = arith.constant dense<0.000000e+00> : vector<1024xf32>
    %reduce_sum3A_40 = vector.multi_reduction <add>, %mul3A_38, %reduce_sum3A_39 [1] : vector<1024x8xf32> to vector<1024xf32>
    %broadcast_in_dim3A_41 = vector.shape_cast %reduce_sum3A_40 : vector<1024xf32> to vector<1024x1xf32>
    %dot_general3A_42 = arith.constant dense<0.000000e+00> : vector<1024x2048xf32>
    %dot_general3A_43 = tpu.matmul %div3A_33, %div3A_23, %dot_general3A_42 {dimension_numbers = #tpu.dot_dimension_numbers<[1], [0], [0], [1], [0, 0, 1, 1], [], []>, transpose_lhs_hint = false} : vector<1024x8xf32>, vector<8x2048xf32>, vector<1024x2048xf32> -> vector<1024x2048xf32>
    %mul3A_44 = arith.constant 2.000000e+00 : f32
    %mul3A_45 = vector.broadcast %mul3A_44 : f32 to vector<1024x2048xf32>
    %mul3A_46 = arith.mulf %mul3A_45, %dot_general3A_43 : vector<1024x2048xf32>
    %sub3A = vector.broadcast %broadcast_in_dim3A_37 : vector<1x2048xf32> to vector<1024x2048xf32>
    %sub3A_47 = arith.subf %mul3A_46, %sub3A : vector<1024x2048xf32>
    %add3A_48 = vector.broadcast %broadcast_in_dim3A_41 : vector<1024x1xf32> to vector<1024x2048xf32>
    %add3A_49 = arith.addf %sub3A_47, %add3A_48 : vector<1024x2048xf32>
    %argmax3A = tpu.reduce_index %add3A_49 {axis = 0 : i32, kind = #tpu.reduction_kind<arg_max>} : vector<1024x2048xf32> -> vector<2048xi32>
    %swap3A_50 = arith.constant 0 : index
    %swap3A_51 = arith.constant 0 : index
    %swap3A_52 = arith.constant 0 : index
    %swap3A_53 = vector.load %arg6[%swap3A_50, %swap3A_51, %swap3A_52] : memref<1x1x2048xi32, #tpu.memory_space<vmem>>, vector<1x1x2048xi32>
    %swap3A_54 = vector.shape_cast %swap3A_53 : vector<1x1x2048xi32> to vector<2048xi32>
    %swap3A_55 = vector.shape_cast %argmax3A : vector<2048xi32> to vector<1x1x2048xi32>
    tpu.vector_store %arg6[%swap3A_50, %swap3A_51, %swap3A_52], %swap3A_55 {strides = array<i32>} : memref<1x1x2048xi32, #tpu.memory_space<vmem>>, vector<1x1x2048xi32>,
    return
  }
  func.func @transform_0(%arg0: i32, %arg1: i32) -> (i32, i32, i32) {
    %c0_i32 = arith.constant 0 : i32
    %c0_i32_0 = arith.constant 0 : i32
    return %arg0, %c0_i32, %arg1 : i32, i32, i32
  }
  func.func @transform_1(%arg0: i32, %arg1: i32) -> (i32, i32) {
    %c0_i32 = arith.constant 0 : i32
    %c0_i32_0 = arith.constant 0 : i32
    %c0_i32_1 = arith.constant 0 : i32
    return %c0_i32, %c0_i32_0 : i32, i32
  }
  func.func @transform_2(%arg0: i32, %arg1: i32) -> i32 {
    %c0_i32 = arith.constant 0 : i32
    %c0_i32_0 = arith.constant 0 : i32
    return %c0_i32 : i32
  }
  func.func @transform_3(%arg0: i32, %arg1: i32) -> (i32, i32) {
    %c0_i32 = arith.constant 0 : i32
    %c0_i32_0 = arith.constant 0 : i32
    %c0_i32_1 = arith.constant 0 : i32
    return %c0_i32, %c0_i32_0 : i32, i32
  }
  func.func @transform_4(%arg0: i32, %arg1: i32) -> (i32, i32, i32) {
    %c0_i32 = arith.constant 0 : i32
    %c0_i32_0 = arith.constant 0 : i32
    return %arg0, %c0_i32, %arg1 : i32, i32, i32
  }
  func.func @transform_5(%arg0: i32, %arg1: i32) -> (i32, i32, i32) {
    %c0_i32 = arith.constant 0 : i32
    %c0_i32_0 = arith.constant 0 : i32
    return %arg0, %c0_i32, %arg1 : i32, i32, i32
  }
}

module attributes {stable_mosaic.version = 14 : i64} {
  func.func @_out_loss_kernel(%arg0: i32, %arg1: i32, %arg2: memref<8x2048xf32, #tpu.memory_space<vmem>>, %arg3: memref<1x8x2048xf32, #tpu.memory_space<vmem>>, %arg4: memref<1024x8xf32, #tpu.memory_space<vmem>>, %arg5: memref<1024xf32, #tpu.memory_space<vmem>>, %arg6: memref<1x1024x2048xf32, #tpu.memory_space<vmem>>, %arg7: memref<1x1xf32, #tpu.memory_space<smem>>) attributes {dimension_semantics = [#tpu.dimension_semantics<arbitrary>, #tpu.dimension_semantics<arbitrary>], iteration_bounds = array<i64: 8, 2>, scalar_prefetch = 0 : i64, scratch_operands = 0 : i64, tpu.core_type = #tpu.core_type<tc>, window_params = [{transform_indices = @transform_0, window_bounds = array<i64: 8, 2048>}, {transform_indices = @transform_1, window_bounds = array<i64: 1, 8, 2048>}, {pipeline_mode = #tpu.pipeline_mode<synchronous>, transform_indices = @transform_2, window_bounds = array<i64: 1024, 8>}, {pipeline_mode = #tpu.pipeline_mode<synchronous>, transform_indices = @transform_3, window_bounds = array<i64: 1024>}, {transform_indices = @transform_4, window_bounds = array<i64: 1, 1024, 2048>}, {transform_indices = @transform_5, window_bounds = array<i64: 1, 1>}]} {
    %get3A = arith.constant 0 : index
    %get3A_0 = arith.constant 0 : index
    %get3A_1 = vector.load %arg2[%get3A, %get3A_0] : memref<8x2048xf32, #tpu.memory_space<vmem>>, vector<8x2048xf32>
    %get3A_2 = arith.constant 0 : index
    %get3A_3 = arith.constant 0 : index
    %get3A_4 = vector.load %arg4[%get3A_2, %get3A_3] : memref<1024x8xf32, #tpu.memory_space<vmem>>, vector<1024x8xf32>
    %dot_general3A = arith.constant dense<0.000000e+00> : vector<1024x2048xf32>
    %dot_general3A_5 = tpu.matmul %get3A_4, %get3A_1, %dot_general3A {dimension_numbers = #tpu.dot_dimension_numbers<[1], [0], [0], [1], [0, 0, 1, 1], [], []>, transpose_lhs_hint = false} : vector<1024x8xf32>, vector<8x2048xf32>, vector<1024x2048xf32> -> vector<1024x2048xf32>
    %get3A_6 = arith.constant 0 : index
    %get3A_7 = vector.load %arg5[%get3A_6] : memref<1024xf32, #tpu.memory_space<vmem>>, vector<1024xf32>
    %broadcast_in_dim3A = vector.shape_cast %get3A_7 : vector<1024xf32> to vector<1024x1xf32>
    %add3A = vector.broadcast %broadcast_in_dim3A : vector<1024x1xf32> to vector<1024x2048xf32>
    %add3A_8 = arith.addf %dot_general3A_5, %add3A : vector<1024x2048xf32>
    %swap3A = arith.constant 0 : index
    %swap3A_9 = arith.constant 0 : index
    %swap3A_10 = arith.constant 0 : index
    %swap3A_11 = vector.load %arg6[%swap3A, %swap3A_9, %swap3A_10] : memref<1x1024x2048xf32, #tpu.memory_space<vmem>>, vector<1x1024x2048xf32>
    %swap3A_12 = vector.shape_cast %swap3A_11 : vector<1x1024x2048xf32> to vector<1024x2048xf32>
    %swap3A_13 = vector.shape_cast %add3A_8 : vector<1024x2048xf32> to vector<1x1024x2048xf32>
    tpu.vector_store %arg6[%swap3A, %swap3A_9, %swap3A_10], %swap3A_13 {strides = array<i32>} : memref<1x1024x2048xf32, #tpu.memory_space<vmem>>, vector<1x1024x2048xf32>,
    %get3A_14 = arith.constant 0 : index
    %get3A_15 = arith.constant 0 : index
    %get3A_16 = arith.constant 0 : index
    %get3A_17 = vector.load %arg3[%get3A_14, %get3A_15, %get3A_16] : memref<1x8x2048xf32, #tpu.memory_space<vmem>>, vector<1x8x2048xf32>
    %get3A_18 = vector.shape_cast %get3A_17 : vector<1x8x2048xf32> to vector<8x2048xf32>
    %sub3A = arith.subf %get3A_18, %get3A_1 : vector<8x2048xf32>
    %mul3A = arith.mulf %sub3A, %sub3A : vector<8x2048xf32>
    %reduce_sum3A = vector.shape_cast %mul3A : vector<8x2048xf32> to vector<1x8x2048xf32>
    %reduce_sum3A_19 = arith.constant dense<0.000000e+00> : vector<1xf32>
    %reduce_sum3A_20 = vector.multi_reduction <add>, %reduce_sum3A, %reduce_sum3A_19 [1, 2] : vector<1x8x2048xf32> to vector<1xf32>
    %reduce_sum3A_21 = vector.shape_cast %reduce_sum3A_20 : vector<1xf32> to vector<1x1x1xf32>
    %reduce_sum3A_22 = vector.extract %reduce_sum3A_21[0, 0, 0] : f32 from vector<1x1x1xf32>
    %eq3A = arith.constant 0 : i32
    %eq3A_23 = arith.cmpi eq, %arg0, %eq3A : i32
    %eq3A_24 = arith.constant 0 : i32
    %eq3A_25 = arith.cmpi eq, %arg1, %eq3A_24 : i32
    %and3A = arith.andi %eq3A_23, %eq3A_25 : i1
    %convert_element_type3A = arith.extui %and3A : i1 to i32
    %cond3A = arith.constant 0 : i32
    %cond3A_26 = arith.cmpi ne, %convert_element_type3A, %cond3A : i32
    scf.if %cond3A_26 {
      %swap3A_35 = arith.constant 0.000000e+00 : f32
      %swap3A_36 = arith.constant 0 : index
      %swap3A_37 = arith.constant 0 : index
      %swap3A_38 = memref.load %arg7[%swap3A_36, %swap3A_37] : memref<1x1xf32, #tpu.memory_space<smem>>
      memref.store %swap3A_35, %arg7[%swap3A_36, %swap3A_37] : memref<1x1xf32, #tpu.memory_space<smem>>
    } else {
    }
    %get3A_27 = arith.constant 0 : index
    %get3A_28 = arith.constant 0 : index
    %get3A_29 = memref.load %arg7[%get3A_27, %get3A_28] : memref<1x1xf32, #tpu.memory_space<smem>>
    %div3A = arith.constant 2.621440e+05 : f32
    %div3A_30 = arith.divf %reduce_sum3A_22, %div3A : f32
    %add3A_31 = arith.addf %get3A_29, %div3A_30 : f32
    %swap3A_32 = arith.constant 0 : index
    %swap3A_33 = arith.constant 0 : index
    %swap3A_34 = memref.load %arg7[%swap3A_32, %swap3A_33] : memref<1x1xf32, #tpu.memory_space<smem>>
    memref.store %add3A_31, %arg7[%swap3A_32, %swap3A_33] : memref<1x1xf32, #tpu.memory_space<smem>>
    return
  }
  func.func @transform_0(%arg0: i32, %arg1: i32) -> (i32, i32) {
    %mul3A = arith.constant 2 : i32
    %mul3A_0 = arith.muli %arg0, %mul3A : i32
    %add3A = arith.addi %mul3A_0, %arg1 : i32
    %c0_i32 = arith.constant 0 : i32
    %c0_i32_1 = arith.constant 0 : i32
    return %c0_i32, %add3A : i32, i32
  }
  func.func @transform_1(%arg0: i32, %arg1: i32) -> (i32, i32, i32) {
    %c0_i32 = arith.constant 0 : i32
    %c0_i32_0 = arith.constant 0 : i32
    return %arg0, %c0_i32, %arg1 : i32, i32, i32
  }
  func.func @transform_2(%arg0: i32, %arg1: i32) -> (i32, i32) {
    %c0_i32 = arith.constant 0 : i32
    %c0_i32_0 = arith.constant 0 : i32
    %c0_i32_1 = arith.constant 0 : i32
    return %c0_i32, %c0_i32_0 : i32, i32
  }
  func.func @transform_3(%arg0: i32, %arg1: i32) -> i32 {
    %c0_i32 = arith.constant 0 : i32
    %c0_i32_0 = arith.constant 0 : i32
    return %c0_i32 : i32
  }
  func.func @transform_4(%arg0: i32, %arg1: i32) -> (i32, i32, i32) {
    %c0_i32 = arith.constant 0 : i32
    %c0_i32_0 = arith.constant 0 : i32
    return %arg0, %c0_i32, %arg1 : i32, i32, i32
  }
  func.func @transform_5(%arg0: i32, %arg1: i32) -> (i32, i32) {
    %c0_i32 = arith.constant 0 : i32
    %c0_i32_0 = arith.constant 0 : i32
    %c0_i32_1 = arith.constant 0 : i32
    return %c0_i32, %c0_i32_0 : i32, i32
  }
}

</mosaic_0001>

<sc_bundles>
// kernel: _vq.5.cloned.1.call-start
scs
__scs_entry_jumppad:
0x0: {  	(pc) =	sbr.rel $0x88, $3  }
0x1: {  	(tag) =	ssettag $0x0;
	lr =	simm.s32 $0x1  }
0x2: {  	[smem:$0x3F9B] =	sst lr;
	_ =	strace $0xD0000000  }
0x3: {  	_ = 	snop  }
0x4: {  	_ = 	snop  }
0x5: {  	_ = 	snop  }
0x6: {  	_ = 	snop  }
0x7: {  	_ = 	snop  }
__scs_overlays_trampoline_lowered:
0x8: {  	[smem:$0x3FAA] =	sst s0  }
0x9: {  	[smem:$0x3FAB] =	sst s1  }
0xa: {  	[smem:$0x3FAC] =	sst s2  }
0xb: {  	[smem:$0x3FAD] =	sst s3  }
0xc: {  	[smem:$0x3FAE] =	sst s4  }
0xd: {  	[smem:$0x3FAF] =	sst s5  }
0xe: {  	[smem:$0x3FB0] =	sst s6  }
0xf: {  	[smem:$0x3FB1] =	sst s7  }
0x10: {  	[smem:$0x3FB2] =	sst s8  }
0x11: {  	[smem:$0x3FB3] =	sst s9;
	s0 =	simm.s32 @!p0 $0x0  }
0x12: {  	s1 =	sld [smem:$0x3F99];
	s0 =	simm.s32 @p0 $0x1  }
0x13: {  	[smem:$0x3FB4] =	sst s0;
	s0 =	simm.s32 @!p1 $0x0  }
0x14: {  	s2 =	sld [smem:$0x3F98];
	s0 =	simm.s32 @p1 $0x1  }
0x15: {  	[smem:$0x3FB5] =	sst s0;
	s0 =	simm.s32 @!p2 $0x0  }
0x16: {  	s3 =	sld [smem:$0x3FDB];
	s0 =	simm.s32 @p2 $0x1  }
0x17: {  	s4 =	simm.s32 $0x1BF5;
	[smem:$0x3FB7] =	sst s0  }
0x18: {  	s0 =	sld [smem:$0x3F9A];
	_ =	swait.ge [sflag:s4], $0x0  }
0x19: {  	s7 =	sld [smem:$0x3F9B]  }
0x1a: {  	s8 =	sadd.s32 $0xFFFFE003, lr  }
0x1b: {  	s9 =	sadd.s32 $0xFFFFFEF7, lr;
	s5 =	simm.s32 $0xFFFFFFFF;
	p2 =	slt.u32 s8, $0xFFFFF086  }
0x1c: {  	p1 =	slt.u32 s9, $0xF7A;
	s5 =	simm.s32 @!p2 $0x0  }
0x1d: {  	s5 =	simm.s32 @p1 $0x1;
	p0 =	seq.s32 s7, s2  }
0x1e: {  	s7 =	smul.u32 @!p0 $0xF7A, s2;
	p2 =	seq.s32 @!p0 s5, $0x0  }
0x1f: {  	s9 =	smul.u32 $0xF7A, s1;
	s8 =	simm.s32 @!p0 $0x1BF5;
	p2 =	por !p2, p0  }
0x20: {  	[sflag:s8] =	ssyncset.s32 @!p0 $0xFFFFF086;
	s6 =	sadd.s32 @!p0 s3, s7;
	s7 =	simm.s32 @!p0 $0x108  }
0x21: {  	s3 =	sadd.s32 s3, s9;
	s6 =	sadd.s32 @!p0 $0x88, s6;
	s7 =	simm.s32 @p2 $0x1082  }
0x22: {  	[simem:s7], [sflag:s8] =	dma.local @!p0 [hbm:s6], $0xF7A  }
0x23: {  	s9 =	sor.u32 $0xD0000000, s2;
	s6 =	simm.s32 $0x108;
	_ =	swait.ge @!p0 [sflag:s8], $0x0  }
0x24: {  	s3 =	sadd.s32 $0x88, s3;
	s6 =	simm.s32 @!p1 $0x1082;
	[sflag:s4] =	ssyncset.s32 $0xFFFFF086  }
0x25: {  	[simem:s6], [sflag:s4] =	dma.local [hbm:s3], $0xF7A  }
0x26: {  	[smem:$0x3F9B] =	sst s1;
	(tag) =	ssettag s2;
	_ =	strace s9  }
0x27: {  	s1 =	sld [smem:$0x3FAB]  }
0x28: {  	s2 =	sld [smem:$0x3FAC]  }
0x29: {  	s4 =	sld [smem:$0x3FAE]  }
0x2a: {  	p0 =	seq.s32 s5, $0x0;
	s5 =	sld [smem:$0x3FAF]  }
0x2b: {  	s6 =	sld [smem:$0x3FB0]  }
0x2c: {  	s7 =	sld [smem:$0x3FB1]  }
0x2d: {  	s3 =	simm.s32 $0x108;
	s8 =	sld [smem:$0x3FB2]  }
0x2e: {  	s3 =	simm.s32 @!p0 $0x1082;
	s9 =	sld [smem:$0x3FB3]  }
0x2f: {  	lr =	sadd.s32 s0, s3;
	s0 =	sld [smem:$0x3FAA]  }
0x30: {  	s3 =	sld [smem:$0x3FAD]  }
0x31: {  	[smem:$0x3FB6] =	sst s10  }
0x32: {  	s10 =	sld [smem:$0x3FB4];
	_ =	sdelay $0x3  }
0x33: {  	p0 =	seq.s32 s10, $0x1;
	s10 =	sld [smem:$0x3FB6];
	_ =	sdelay $0x3  }
0x34: {  	[smem:$0x3FB6] =	sst s10  }
0x35: {  	s10 =	sld [smem:$0x3FB5];
	_ =	sdelay $0x3  }
0x36: {  	p1 =	seq.s32 s10, $0x1;
	s10 =	sld [smem:$0x3FB6];
	_ =	sdelay $0x3  }
0x37: {  	[smem:$0x3FB6] =	sst s10  }
0x38: {  	s10 =	sld [smem:$0x3FB7]  }
0x39: {  	_ = 	snop;
	(pc) =	sbr.ind lr, $3  }
0x3a: {  	_ = 	snop  }
0x3b: {  	_ = 	snop  }
0x3c: {  	p2 =	seq.s32 s10, $0x1;
	s10 =	sld [smem:$0x3FB6]  }
0x3d: {  	_ =	shalt  }
0x3e: {  	_ =	shalt  }
0x3f: {  	_ =	shalt  }
0x40: {  	_ =	shalt  }
0x41: {  	_ =	shalt  }
0x42: {  	_ =	shalt  }
0x43: {  	_ =	shalt  }
0x44: {  	_ =	shalt  }
0x45: {  	_ =	shalt  }
0x46: {  	_ =	shalt  }
0x47: {  	_ =	shalt  }
0x48: {  	_ =	shalt  }
0x49: {  	_ =	shalt  }
0x4a: {  	_ =	shalt  }
0x4b: {  	_ =	shalt  }
0x4c: {  	_ =	shalt  }
0x4d: {  	_ =	shalt  }
0x4e: {  	_ =	shalt  }
0x4f: {  	_ =	shalt  }
0x50: {  	_ =	shalt  }
0x51: {  	_ =	shalt  }
0x52: {  	_ =	shalt  }
0x53: {  	_ =	shalt  }
0x54: {  	_ =	shalt  }
0x55: {  	_ =	shalt  }
0x56: {  	_ =	shalt  }
0x57: {  	_ =	shalt  }
0x58: {  	_ =	shalt  }
0x59: {  	_ =	shalt  }
0x5a: {  	_ =	shalt  }
0x5b: {  	_ =	shalt  }
0x5c: {  	_ =	shalt  }
0x5d: {  	_ =	shalt  }
0x5e: {  	_ =	shalt  }
0x5f: {  	_ =	shalt  }
0x60: {  	_ =	shalt  }
0x61: {  	_ =	shalt  }
0x62: {  	_ =	shalt  }
0x63: {  	_ =	shalt  }
0x64: {  	_ =	shalt  }
0x65: {  	_ =	shalt  }
0x66: {  	_ =	shalt  }
0x67: {  	_ =	shalt  }
0x68: {  	_ =	shalt  }
0x69: {  	_ =	shalt  }
0x6a: {  	_ =	shalt  }
0x6b: {  	_ =	shalt  }
0x6c: {  	_ =	shalt  }
0x6d: {  	_ =	shalt  }
0x6e: {  	_ =	shalt  }
0x6f: {  	_ =	shalt  }
0x70: {  	_ =	shalt  }
0x71: {  	_ =	shalt  }
0x72: {  	_ =	shalt  }
0x73: {  	_ =	shalt  }
0x74: {  	_ =	shalt  }
0x75: {  	_ =	shalt  }
0x76: {  	_ =	shalt  }
0x77: {  	_ =	shalt  }
0x78: {  	_ =	shalt  }
0x79: {  	_ =	shalt  }
0x7a: {  	_ =	shalt  }
0x7b: {  	_ =	shalt  }
0x7c: {  	_ =	shalt  }
0x7d: {  	_ =	shalt  }
0x7e: {  	_ =	shalt  }
0x7f: {  	_ =	shalt  }
0x80: {  	_ =	shalt  }
0x81: {  	_ =	shalt  }
0x82: {  	_ =	shalt  }
0x83: {  	_ =	shalt  }
0x84: {  	_ =	shalt  }
0x85: {  	_ =	shalt  }
0x86: {  	_ =	shalt  }
0x87: {  	_ =	shalt  }
.Lfunc_end0:
.L_simem_size_0:
called_computation_lowered:
.L_overlay_start_0:
0x88: {  	s2 =	sld [smem:$0x3FD9]  }
0x89: {  	s3 =	sld [smem:$0x3FFE];
	_ =	sdelay $0x1  }
0x8a: {  	s1 =	srdreg.scid  }
0x8b: {  	s0 =	sand.u32 $0x1, s1  }
0x8c: {  	s14 =	sshll.u32 s0, $0xA;
	s2 =	sadd.s32 s3, s2  }
0x8d: {  	s2 =	sadd.s32 s2, s14  }
0x8e: {  	[smem:$0x3FC2] =	sst s2  }
0x8f: {  	_ = 	snop  }
0x90: {  	s2 =	sld [smem:$0x3FD0];
	_ =	sdelay $0x2  }
0x91: {  	s15 =	simm.s32 $0xA;
	s4 =	simm.s32 $0x10  }
0x92: {  	[smem:s4], [sflag:s15] =	dma.local [hbm:s2], $0x1  }
0x93: {  	_ =	swait.eq [sflag:s15], $0x1  }
0x94: {  	[sflag:s15] =	ssyncset.done $0x0  }
0x95: {  	s16 =	sld [smem:$0x10];
	[sflag:s15] =	ssyncadd.s32 $0xFFFFFFFF  }
0x96: {  	s17 =	sld [smem:$0x13];
	(tm) =	ssettm $0x1  }
0x97: {  	s18 =	sld [smem:$0x3FFB];
	_ =	sdelay $0x3  }
0x98: {  	_ =	strace s18  }
0x99: {  	s4 =	sld [smem:$0x3FFC];
	_ =	sdelay $0x3  }
0x9a: {  	_ =	strace s4  }
0x9b: {  	s4 =	sld [smem:$0x3FFD];
	_ =	sdelay $0x3  }
0x9c: {  	_ =	strace s4  }
0x9d: {  	_ =	strace $0x8FFFFFFF  }
0x9e: {  	s19 =	sld [smem:$0x3FDB];
	_ =	sdelay $0x1  }
0x9f: {  	s5 =	simm.s32 $_scs_section_size  }
0xa0: {  	s6 =	simm.s32 $_size__tile_overlayer_lowered;
	s7 =	simm.s32 $_tile_overlayer_lowered  }
0xa1: {  	s22 =	simm.s32 $0x1BFF;
	s21 =	sshll.u32 s7, $0x1;
	s4 =	sadd.s32 s5, s19  }
0xa2: {  	s8 =	simm.s32 $0x0;
	s20 =	sshll.u32 s6, $0x1;
	s6 =	sadd.s32 s21, s4  }
0xa3: {  	[timem:s8], [sflag:s22] =	dma.local [hbm:s6], s20  }
0xa4: {  	_ =	swait.ge [sflag:s22], s20  }
0xa5: {  	s5 =	ssub.s32 $0x0, s20;
	[sflag:s22] =	ssyncset.done $0x0  }
0xa6: {  	[sflag:s22] =	ssyncadd.s32 s5;
	_ =	sdelay $0x1  }
0xa7: {  	s23 =	simm.s32 $0x1B8B  }
0xa8: {  	_ =	swait.ge [sflag:s23], $0x1  }
0xa9: {  	[sflag:s23] =	ssyncset.done $0x0  }
0xaa: {  	s25 =	simm.s32 $0x1B8E;
	s24 =	sld [smem:$0x3FFE];
	[sflag:s23] =	ssyncadd.s32 $0xFFFFFFFF  }
0xab: {  	s26 =	simm.s32 $execute0_lowered;
	[smem:$0x3FD2] =	sst s25  }
0xac: {  	s6 =	sshll.u32 s26, $0x1;
	_ =	strace $0x80000046;
	[dreg:$0x1] =	wrdreg $0xFFFFFFFF  }
0xad: {  	s28 =	simm.s32 $_size_execute0_lowered;
	s4 =	sadd.s32 s4, s6;
	[dreg:$0x0] =	wrdreg $0x0  }
0xae: {  	s6 =	sshll.u32 s28, $0x1;
	[dreg:$0x2] =	wrdreg s4  }
0xaf: {  	[dreg:$0x3] =	wrdreg s6  }
0xb0: {  	[dreg:$0x4] =	wrdreg $0xC0  }
0xb1: {  	_ =	task [dreg:s8], $0x5FFFF  }
0xb2: {  	[dreg:$0x1] =	wrdreg $0xFFFFFFFF  }
0xb3: {  	[dreg:$0x0] =	wrdreg $0x60  }
0xb4: {  	[dreg:$0x2] =	wrdreg s24  }
0xb5: {  	[dreg:$0x3] =	wrdreg s16  }
0xb6: {  	[dreg:$0x4] =	wrdreg s17  }
0xb7: {  	[dreg:$0x5] =	wrdreg $0x9  }
0xb8: {  	_ =	task.clear_ibuf [dreg:s8], $0x6FFFF;
	_ =	strace $0x90000046  }
0xb9: {  	s29 =	simm.s32 $0x9;
	_ =	strace $0x80000048  }
0xba: {  	_ =	swait.ge [sflag:s29], $0x1  }
0xbb: {  	[sflag:s29] =	ssyncadd.s32 $0xFFFFFFFF  }
0xbc: {  	_ =	strace $0x90000048  }
0xbd: {  	_ =	sfence  }
0xbe: {  	s30 =	sld [smem:$0x0];
	_ =	sdelay $0x2  }
0xbf: {  	s31 =	sshll.u32 s1, $0xD;
	s1 =	sshrl.u32 s1, $0x2  }
0xc0: {  	s3 =	sand.u32 $0x4000, s31;
	s1 =	sadd.s32 s1, s30  }
0xc1: {  	s0 =	sor.u32 s3, s0;
	s1 =	sshll.u32 s1, $0x11  }
0xc2: {  	s0 =	sor.u32 s1, s0  }
0xc3: {  	s0 =	sadd.s32 $0x8F2B, s0  }
0xc4: {  	[sflag:s0] =	ssyncadd.remote.s32 $0x1  }
0xc5: {  	_ =	sfence.sel $0xFFFF  }
0xc6: {  	[dreg:$0x0] =	wrdreg $0xFFFFFFFF;
	(pc) =	sbr.abs _section_cstart, $3  }
0xc7: {  	[dreg:$0x1] =	wrdreg $0xFFFFFFFF  }
0xc8: {  	_ =	task.clear_ibuf [dreg:s8], $0x2FFFF;
	_ =	strace $0x9FFFFFFF  }
0xc9: {  	(tm) =	ssettm $0x7FFFFFFF  }
tec
execute0_lowered:
.L_overlay_start_1:
0x0: {  	(tag) =	ssettag $0x1  }
0x1: {  	s4 =	rddreg [dreg:$0x0]  }
0x2: {  	s5 =	rddreg [dreg:$0x1]  }
0x3: {  	s6 =	rddreg [dreg:$0x2]  }
0x4: {  	s0 =	rddreg [dreg:$0x3];
	s3 =	srdreg.scid  }
0x5: {  	s2 =	simm.s32 $0x0;
	s1 =	stileid.u32;
	s7 =	sand.u32 $0x1, s3  }
0x6: {  	[smem:$0x7FF] =	sst s2;
	s30 =	sshll.u32 s1, $0xB;
	s9 =	sshrl.u32 s1, $0x1  }
0x7: {  	s3 =	sadd.s32 $0x1A00, s4;
	s8 =	sshll.u32 s7, $0xA;
	_ =	strace $0x80000047  }
0x8: {  	s11 =	sshll.u32 s9, $0xF;
	s7 =	ssub.s32 $0x2, s7;
	s8 =	sor.u32 s8, s30  }
0x9: {  	s9 =	sshll.u32 s9, $0x7;
	s12 =	sshrl.u32 s7, $0x1;
	s10 =	sshll.u32 s8, $0x3  }
0xa: {  	s31 =	sshrl.u32 s8, $0x3;
	s7 =	ssub.s32 s7, s12;
	s5 =	sadd.s32 s5, s8  }
0xb: {  	s8 =	simm.s32 $0x1;
	s12 =	simm.s32 $0x0;
	s10 =	ssub.s32 s10, s11  }
0xc: {  	v1 =	vlaneseq.u32;
	s4 =	sadd.s32 s31, s4;
	s7 =	smax.u32 s7, $0x1;
	s9 =	sor.u32 s9, s10  }
0xd: {  	v0 =	vand.u32 $0x7, v1;
	s11 =	simm.s32 $0x80;
	s4 =	sadd.s32 $0x1E00, s4;
	s9 =	sshrl.u32 s9, $0x3  }
0xe: {  	v1 =	vshrl.u32 v1, $0x3;
	v2 =	vmul.u32 $0x80, v0;
	s10 =	simm.s32 $0x2400;
	s6 =	sadd.s32 s6, s9;
	s9 =	simm.s32 $0x400  }
.LBB2_1:
0xf: {  	[tilespmem:s2], [sflag:$0x1] =	stream.linear.gather [hbm4b:s4+s2], $0x400, $0x38;
	[tilespmem:$0x4400] =	vst v63  }
0x10: {  	_ =	swait.ge [sflag:s8], $0x400  }
0x11: {  	[sflag:s8] =	ssyncset.done $0x0  }
0x12: {  	[sflag:s8] =	ssyncadd.s32 $0xFFFFFC00  }
0x13: {  	[tilespmem:s9], [sflag:$0x1] =	stream.linear.gather [hbm4b:s3+s2], $0x2000, $0x38;
	[tilespmem:$0x4400] =	vst v63  }
0x14: {  	_ =	swait.ge [sflag:s8], $0x2000  }
0x15: {  	[sflag:s8] =	ssyncset.done $0x0  }
0x16: {  	s13 =	simm.s32 $0xFFFFFFF0;
	s14 =	simm.s32 $0x1E;
	[sflag:s8] =	ssyncadd.s32 $0xFFFFE000  }
.LBB2_2:
0x17: {  	s15 =	sadd.s32 $0xFFFFFFE2, s14  }
0x18: {  	v3 =	vor.u32 s15, v1;
	_ =	sdelay $0x4  }
0x19: {  	v4 =	vld.idx.msk [tilespmem:v3+s2+$0x0], $0xffff;
	_ =	sdelay $0x4  }
0x1a: {  	v4 =	vshll.u32 v4, $0x3  }
0x1b: {  	v4 =	vor.u32 v0, v4  }
0x1c: {  	v5 =	vmov s15  }
0x1d: {  	v5 =	vshll.u32 v5, $0x3  }
0x1e: {  	v5 =	vand.u32 $0x1C00, v5;
	v3 =	vand.u32 $0x61, v3  }
0x1f: {  	v3 =	vor.u32 v3, v5  }
0x20: {  	s17 =	sadd.s32 $0xFFFFFFE4, s14;
	v3 =	vor.u32 v2, v3;
	v4 =	vld.idx.msk [tilespmem:v4+s9+$0x0], $0xffff  }
0x21: {  	v34 =	vor.u32 s17, v1;
	_ =	sdelay $0x3  }
0x22: {  	[tilespmem:v3+s10+$0x0] =	vst.idx.msk $0xffff, v4  }
0x23: {  	v3 =	vld.idx.msk [tilespmem:v34+s2+$0x0], $0xffff;
	_ =	sdelay $0x4  }
0x24: {  	v3 =	vshll.u32 v3, $0x3  }
0x25: {  	v3 =	vor.u32 v0, v3  }
0x26: {  	v35 =	vmov s17  }
0x27: {  	v4 =	vshll.u32 v35, $0x3  }
0x28: {  	v5 =	vand.u32 $0x63, v34;
	v4 =	vand.u32 $0x1C00, v4  }
0x29: {  	v4 =	vor.u32 v5, v4  }
0x2a: {  	s18 =	sadd.s32 $0xFFFFFFE6, s14;
	v4 =	vor.u32 v2, v4;
	v3 =	vld.idx.msk [tilespmem:v3+s9+$0x0], $0xffff  }
0x2b: {  	v36 =	vor.u32 s18, v1;
	_ =	sdelay $0x3  }
0x2c: {  	[tilespmem:v4+s10+$0x0] =	vst.idx.msk $0xffff, v3  }
0x2d: {  	v3 =	vld.idx.msk [tilespmem:v36+s2+$0x0], $0xffff;
	_ =	sdelay $0x4  }
0x2e: {  	v3 =	vshll.u32 v3, $0x3  }
0x2f: {  	v3 =	vor.u32 v0, v3  }
0x30: {  	v37 =	vmov s18  }
0x31: {  	v4 =	vshll.u32 v37, $0x3  }
0x32: {  	v5 =	vand.u32 $0x65, v36;
	v4 =	vand.u32 $0x1C00, v4  }
0x33: {  	v4 =	vor.u32 v5, v4  }
0x34: {  	s19 =	sadd.s32 $0xFFFFFFE8, s14;
	v4 =	vor.u32 v2, v4;
	v3 =	vld.idx.msk [tilespmem:v3+s9+$0x0], $0xffff  }
0x35: {  	v38 =	vor.u32 s19, v1;
	_ =	sdelay $0x3  }
0x36: {  	[tilespmem:v4+s10+$0x0] =	vst.idx.msk $0xffff, v3  }
0x37: {  	v3 =	vld.idx.msk [tilespmem:v38+s2+$0x0], $0xffff;
	_ =	sdelay $0x4  }
0x38: {  	v3 =	vshll.u32 v3, $0x3  }
0x39: {  	v3 =	vor.u32 v0, v3  }
0x3a: {  	v39 =	vmov s19  }
0x3b: {  	v4 =	vshll.u32 v39, $0x3  }
0x3c: {  	v5 =	vand.u32 $0x67, v38;
	v4 =	vand.u32 $0x1C00, v4  }
0x3d: {  	v4 =	vor.u32 v5, v4  }
0x3e: {  	s20 =	sadd.s32 $0xFFFFFFEA, s14;
	v4 =	vor.u32 v2, v4;
	v3 =	vld.idx.msk [tilespmem:v3+s9+$0x0], $0xffff  }
0x3f: {  	v40 =	vor.u32 s20, v1;
	_ =	sdelay $0x3  }
0x40: {  	[tilespmem:v4+s10+$0x0] =	vst.idx.msk $0xffff, v3  }
0x41: {  	v3 =	vld.idx.msk [tilespmem:v40+s2+$0x0], $0xffff;
	_ =	sdelay $0x4  }
0x42: {  	v3 =	vshll.u32 v3, $0x3  }
0x43: {  	v3 =	vor.u32 v0, v3  }
0x44: {  	v41 =	vmov s20  }
0x45: {  	v4 =	vshll.u32 v41, $0x3  }
0x46: {  	v5 =	vand.u32 $0x69, v40;
	v4 =	vand.u32 $0x1C00, v4  }
0x47: {  	v4 =	vor.u32 v5, v4  }
0x48: {  	s21 =	sadd.s32 $0xFFFFFFEC, s14;
	v4 =	vor.u32 v2, v4;
	v3 =	vld.idx.msk [tilespmem:v3+s9+$0x0], $0xffff  }
0x49: {  	v42 =	vor.u32 s21, v1;
	_ =	sdelay $0x3  }
0x4a: {  	[tilespmem:v4+s10+$0x0] =	vst.idx.msk $0xffff, v3  }
0x4b: {  	v3 =	vld.idx.msk [tilespmem:v42+s2+$0x0], $0xffff;
	_ =	sdelay $0x4  }
0x4c: {  	v3 =	vshll.u32 v3, $0x3  }
0x4d: {  	v3 =	vor.u32 v0, v3  }
0x4e: {  	v43 =	vmov s21  }
0x4f: {  	v4 =	vshll.u32 v43, $0x3  }
0x50: {  	v5 =	vand.u32 $0x6B, v42;
	v4 =	vand.u32 $0x1C00, v4  }
0x51: {  	v4 =	vor.u32 v5, v4  }
0x52: {  	s22 =	sadd.s32 $0xFFFFFFEE, s14;
	v4 =	vor.u32 v2, v4;
	v3 =	vld.idx.msk [tilespmem:v3+s9+$0x0], $0xffff  }
0x53: {  	v44 =	vor.u32 s22, v1;
	_ =	sdelay $0x3  }
0x54: {  	[tilespmem:v4+s10+$0x0] =	vst.idx.msk $0xffff, v3  }
0x55: {  	v3 =	vld.idx.msk [tilespmem:v44+s2+$0x0], $0xffff;
	_ =	sdelay $0x4  }
0x56: {  	v3 =	vshll.u32 v3, $0x3  }
0x57: {  	v3 =	vor.u32 v0, v3  }
0x58: {  	v45 =	vmov s22  }
0x59: {  	v4 =	vshll.u32 v45, $0x3  }
0x5a: {  	v5 =	vand.u32 $0x6D, v44;
	v4 =	vand.u32 $0x1C00, v4  }
0x5b: {  	v4 =	vor.u32 v5, v4  }
0x5c: {  	s23 =	sadd.s32 $0xFFFFFFF0, s14;
	v4 =	vor.u32 v2, v4;
	v3 =	vld.idx.msk [tilespmem:v3+s9+$0x0], $0xffff  }
0x5d: {  	v46 =	vor.u32 s23, v1;
	_ =	sdelay $0x3  }
0x5e: {  	[tilespmem:v4+s10+$0x0] =	vst.idx.msk $0xffff, v3  }
0x5f: {  	v3 =	vld.idx.msk [tilespmem:v46+s2+$0x0], $0xffff;
	_ =	sdelay $0x4  }
0x60: {  	v3 =	vshll.u32 v3, $0x3  }
0x61: {  	v3 =	vor.u32 v0, v3  }
0x62: {  	v47 =	vmov s23  }
0x63: {  	v4 =	vshll.u32 v47, $0x3  }
0x64: {  	v5 =	vand.u32 $0x6F, v46;
	v4 =	vand.u32 $0x1C00, v4  }
0x65: {  	v4 =	vor.u32 v5, v4  }
0x66: {  	s24 =	sadd.s32 $0xFFFFFFF2, s14;
	v4 =	vor.u32 v2, v4;
	v3 =	vld.idx.msk [tilespmem:v3+s9+$0x0], $0xffff  }
0x67: {  	v48 =	vor.u32 s24, v1;
	_ =	sdelay $0x3  }
0x68: {  	[tilespmem:v4+s10+$0x0] =	vst.idx.msk $0xffff, v3  }
0x69: {  	v3 =	vld.idx.msk [tilespmem:v48+s2+$0x0], $0xffff;
	_ =	sdelay $0x4  }
0x6a: {  	v3 =	vshll.u32 v3, $0x3  }
0x6b: {  	v3 =	vor.u32 v0, v3  }
0x6c: {  	v49 =	vmov s24  }
0x6d: {  	v4 =	vshll.u32 v49, $0x3  }
0x6e: {  	v5 =	vand.u32 $0x71, v48;
	v4 =	vand.u32 $0x1C00, v4  }
0x6f: {  	v4 =	vor.u32 v5, v4  }
0x70: {  	s25 =	sadd.s32 $0xFFFFFFF4, s14;
	v4 =	vor.u32 v2, v4;
	v3 =	vld.idx.msk [tilespmem:v3+s9+$0x0], $0xffff  }
0x71: {  	v50 =	vor.u32 s25, v1;
	_ =	sdelay $0x3  }
0x72: {  	[tilespmem:v4+s10+$0x0] =	vst.idx.msk $0xffff, v3  }
0x73: {  	v3 =	vld.idx.msk [tilespmem:v50+s2+$0x0], $0xffff;
	_ =	sdelay $0x4  }
0x74: {  	v3 =	vshll.u32 v3, $0x3  }
0x75: {  	v3 =	vor.u32 v0, v3  }
0x76: {  	v51 =	vmov s25  }
0x77: {  	v4 =	vshll.u32 v51, $0x3  }
0x78: {  	v5 =	vand.u32 $0x73, v50;
	v4 =	vand.u32 $0x1C00, v4  }
0x79: {  	v4 =	vor.u32 v5, v4  }
0x7a: {  	s26 =	sadd.s32 $0xFFFFFFF6, s14;
	v4 =	vor.u32 v2, v4;
	v3 =	vld.idx.msk [tilespmem:v3+s9+$0x0], $0xffff  }
0x7b: {  	v52 =	vor.u32 s26, v1;
	_ =	sdelay $0x3  }
0x7c: {  	[tilespmem:v4+s10+$0x0] =	vst.idx.msk $0xffff, v3  }
0x7d: {  	v3 =	vld.idx.msk [tilespmem:v52+s2+$0x0], $0xffff;
	_ =	sdelay $0x4  }
0x7e: {  	v3 =	vshll.u32 v3, $0x3  }
0x7f: {  	v3 =	vor.u32 v0, v3  }
0x80: {  	v53 =	vmov s26  }
0x81: {  	v4 =	vshll.u32 v53, $0x3  }
0x82: {  	v5 =	vand.u32 $0x75, v52;
	v4 =	vand.u32 $0x1C00, v4  }
0x83: {  	v4 =	vor.u32 v5, v4  }
0x84: {  	s28 =	sadd.s32 $0xFFFFFFF8, s14;
	v4 =	vor.u32 v2, v4;
	v3 =	vld.idx.msk [tilespmem:v3+s9+$0x0], $0xffff  }
0x85: {  	v54 =	vor.u32 s28, v1;
	_ =	sdelay $0x3  }
0x86: {  	[tilespmem:v4+s10+$0x0] =	vst.idx.msk $0xffff, v3  }
0x87: {  	v3 =	vld.idx.msk [tilespmem:v54+s2+$0x0], $0xffff;
	_ =	sdelay $0x4  }
0x88: {  	v3 =	vshll.u32 v3, $0x3  }
0x89: {  	v3 =	vor.u32 v0, v3  }
0x8a: {  	v55 =	vmov s28  }
0x8b: {  	v4 =	vshll.u32 v55, $0x3  }
0x8c: {  	v5 =	vand.u32 $0x77, v54;
	v4 =	vand.u32 $0x1C00, v4  }
0x8d: {  	v4 =	vor.u32 v5, v4  }
0x8e: {  	s29 =	sadd.s32 $0xFFFFFFFA, s14;
	v4 =	vor.u32 v2, v4;
	v3 =	vld.idx.msk [tilespmem:v3+s9+$0x0], $0xffff  }
0x8f: {  	v56 =	vor.u32 s29, v1;
	_ =	sdelay $0x3  }
0x90: {  	[tilespmem:v4+s10+$0x0] =	vst.idx.msk $0xffff, v3  }
0x91: {  	v3 =	vld.idx.msk [tilespmem:v56+s2+$0x0], $0xffff;
	_ =	sdelay $0x4  }
0x92: {  	v3 =	vshll.u32 v3, $0x3  }
0x93: {  	v3 =	vor.u32 v0, v3  }
0x94: {  	v57 =	vmov s29  }
0x95: {  	v4 =	vshll.u32 v57, $0x3  }
0x96: {  	v5 =	vand.u32 $0x79, v56;
	v4 =	vand.u32 $0x1C00, v4  }
0x97: {  	v4 =	vor.u32 v5, v4  }
0x98: {  	s30 =	sadd.s32 $0xFFFFFFFC, s14;
	v4 =	vor.u32 v2, v4;
	v3 =	vld.idx.msk [tilespmem:v3+s9+$0x0], $0xffff  }
0x99: {  	v58 =	vor.u32 s30, v1;
	_ =	sdelay $0x3  }
0x9a: {  	[tilespmem:v4+s10+$0x0] =	vst.idx.msk $0xffff, v3  }
0x9b: {  	v3 =	vld.idx.msk [tilespmem:v58+s2+$0x0], $0xffff;
	_ =	sdelay $0x4  }
0x9c: {  	v3 =	vshll.u32 v3, $0x3  }
0x9d: {  	v3 =	vor.u32 v0, v3  }
0x9e: {  	v59 =	vmov s30  }
0x9f: {  	v4 =	vshll.u32 v59, $0x3  }
0xa0: {  	v5 =	vand.u32 $0x7B, v58;
	v4 =	vand.u32 $0x1C00, v4  }
0xa1: {  	v4 =	vor.u32 v5, v4  }
0xa2: {  	s31 =	sadd.s32 $0xFFFFFFFE, s14;
	v4 =	vor.u32 v2, v4;
	v3 =	vld.idx.msk [tilespmem:v3+s9+$0x0], $0xffff  }
0xa3: {  	v60 =	vor.u32 s31, v1;
	_ =	sdelay $0x3  }
0xa4: {  	[tilespmem:v4+s10+$0x0] =	vst.idx.msk $0xffff, v3  }
0xa5: {  	v3 =	vld.idx.msk [tilespmem:v60+s2+$0x0], $0xffff;
	_ =	sdelay $0x4  }
0xa6: {  	v3 =	vshll.u32 v3, $0x3  }
0xa7: {  	v3 =	vor.u32 v0, v3  }
0xa8: {  	v61 =	vmov s31  }
0xa9: {  	v4 =	vshll.u32 v61, $0x3  }
0xaa: {  	v5 =	vand.u32 $0x7D, v60;
	v4 =	vand.u32 $0x1C00, v4  }
0xab: {  	v4 =	vor.u32 v5, v4  }
0xac: {  	v4 =	vor.u32 v2, v4;
	v3 =	vld.idx.msk [tilespmem:v3+s9+$0x0], $0xffff  }
0xad: {  	v62 =	vor.u32 s14, v1;
	_ =	sdelay $0x3  }
0xae: {  	[tilespmem:v4+s10+$0x0] =	vst.idx.msk $0xffff, v3  }
0xaf: {  	v3 =	vld.idx.msk [tilespmem:v62+s2+$0x0], $0xffff;
	_ =	sdelay $0x4  }
0xb0: {  	v3 =	vshll.u32 v3, $0x3  }
0xb1: {  	v3 =	vor.u32 v0, v3  }
0xb2: {  	v63 =	vmov s14  }
0xb3: {  	v4 =	vshll.u32 v63, $0x3  }
0xb4: {  	v5 =	vand.u32 $0x7F, v62;
	v4 =	vand.u32 $0x1C00, v4  }
0xb5: {  	s13 =	sadd.s32 $0x10, s13;
	v4 =	vor.u32 v5, v4  }
0xb6: {  	p0 =	slt.u32 s13, $0x1F0;
	v4 =	vor.u32 v2, v4;
	v3 =	vld.idx.msk [tilespmem:v3+s9+$0x0], $0xffff  }
.Ltmp0:
0xb7: {  	_ = 	snop;
	(pc) =	sbr.rel @p0 .LBB2_2-.Ltmp0, $2  }
0xb8: {  	_ =	sdelay $0x2  }
0xb9: {  	s14 =	sadd.s32 $0x20, s14;
	[tilespmem:v4+s10+$0x0] =	vst.idx.msk $0xffff, v3  }
0xba: {  	[hbm4b:s5+s2] =	stream.linear.scatter [tilespmem:s10], [sflag:$0x1], $0x2000, $0x38;
	[tilespmem:$0x4400] =	vst v63  }
0xbb: {  	s12 =	sadd.s32 $0x1, s12;
	_ =	swait.ge [sflag:s8], $0x2000  }
0xbc: {  	p0 =	sne.s32 s12, s7;
	[sflag:s8] =	ssyncset.done $0x0  }
.Ltmp1:
0xbd: {  	[sflag:s8] =	ssyncadd.s32 $0xFFFFE000;
	(pc) =	sbr.rel @p0 .LBB2_1-.Ltmp1, $4  }
0xbe: {  	[hbm4b:s6+s11] =	stream.strided.scatter [tilespmem:s2], [sflag:$0x1], $0x400, s9, s11, $0x38;
	[tilespmem:$0x4400] =	vst v63  }
0xbf: {  	_ =	swait.ge [sflag:s8], $0x400  }
0xc0: {  	[sflag:s8] =	ssyncset.done $0x0  }
0xc1: {  	[sflag:s8] =	ssyncadd.s32 $0xFFFFFC00  }
0xc2: {  	_ =	sfence.sel $0x180000  }
0xc3: {  	[bflag:$0x0] =	sbarrier.arrive $0xFFFF  }
0xc4: {  	p0 =	sne.s32 s1, $0x0;
	_ =	strace $0x90000047  }
0xc5: {  	s0 =	sadd.s32 @!p0 $0x100000, s0;
	[bflag:$0x2] =	sbarrier.arrive $0xFFFF  }
0xc6: {  	[sflag:s0] =	ssyncadd.tile.s32 @!p0 $0x1;
	_ =	shalt  }
.Lfunc_end2:
_tile_overlayer_lowered:
.L_overlay_start_2:
0xc7: {  	(tag) =	ssettag $0x2  }
0xc8: {  	s0 =	rddreg [dreg:$0x0];
	s2 =	stileid.u32  }
0xc9: {  	s1 =	rddreg [dreg:$0x1];
	p0 =	sne.s32 s2, $0x0  }
0xca: {  	s3 =	rddreg [dreg:$0x2];
	[bflag:$0x3] =	sbarrier.arrive $0xFFFF;
	s2 =	simm.s32 @!p0 $0x1C01  }
0xcb: {  	[timem:s3], [sflag:s2] =	dma.local @!p0 [hbm:s0], s1  }
0xcc: {  	s0 =	simm.s32 @!p0 $0x1  }
0xcd: {  	_ =	swait.ge @!p0 [sflag:s0], s1  }
0xce: {  	s1 =	ssub.s32 @!p0 $0x0, s1;
	[sflag:s0] =	ssyncset.done @!p0 $0x0  }
0xcf: {  	[sflag:s0] =	ssyncadd.s32 @!p0 s1  }
0xd0: {  	[bflag:$0x3] =	sbarrier.arrive $0xFFFF  }
0xd1: {  	_ =	shalt  }

</sc_bundles>
